<compile_context>
chip_gen: v7x
topology: tpu7x:2x2x1
jax: 0.10.2.dev20260603
libtpu: 0.0.44.dev20260713+nightly
codegen_flags: <defaults>
</compile_context>

<pallas_src>
import functools

import numpy as np
import jax
import jax.numpy as jnp
from jax import lax
from jax.experimental import pallas as pl
from jax.experimental.pallas import tpu as pltpu
from jax.experimental.pallas import tpu_sc as plsc

HID = 256
HALF = HID // 2
SIGMA_D = 0.2
SIGMA_A = 15.0
ANGLE_K = 3
TOPK = 35
FACTOR_A = 180.0 / (SIGMA_A * np.pi)
NEG_LOG1E4 = -float(np.log(10000.0))

NUM_WORKERS = 32
GATHER_CHUNKS = 5


def _knn_body(pts_ref, ptsT_ref, idx_ref, sqd_ref, nbrf_ref, r0f_ref,
              r1f_ref, r2f_ref, d2_ref):
  b = pl.program_id(0)
  n = pts_ref.shape[1]
  x = pts_ref[0, :, 0:1]
  y = pts_ref[0, :, 1:2]
  z = pts_ref[0, :, 2:3]
  xT = ptsT_ref[0, 0:1, :]
  yT = ptsT_ref[0, 1:2, :]
  zT = ptsT_ref[0, 2:3, :]
  dx = x - xT
  dy = y - yT
  dz = z - zT
  d2_ref[...] = (dx * dx + dy * dy) + dz * dz
  lane = lax.broadcasted_iota(jnp.int32, (n, n), 1)
  lane_k = lax.broadcasted_iota(jnp.int32, (n, TOPK), 1)

  EXTR = 5

  def body(r, _):
    d2 = d2_ref[...]
    idx_acc = idx_ref[0]
    sqd_acc = sqd_ref[0]
    for j in range(EXTR):
      rowmin = jnp.min(d2, axis=1, keepdims=True)
      sel = jnp.min(jnp.where(d2 == rowmin, lane, n), axis=1,
                    keepdims=True)
      d2 = jnp.where(lane == sel, jnp.inf, d2)
      at_k = lane_k == r * EXTR + j
      idx_acc = jnp.where(at_k, sel, idx_acc)
      sqd_acc = jnp.where(at_k, rowmin, sqd_acc)
    d2_ref[...] = d2
    idx_ref[0] = idx_acc
    sqd_ref[0] = sqd_acc
    return 0

  lax.fori_loop(0, TOPK // EXTR, body, 0)
  base = b * n
  idx = idx_ref[0]
  nbrf_ref[0] = idx + base
  r0f_ref[0] = jnp.broadcast_to(idx[:, 0:1] + base, (n, TOPK))
  r1f_ref[0] = jnp.broadcast_to(idx[:, 1:2] + base, (n, TOPK))
  r2f_ref[0] = jnp.broadcast_to(idx[:, 2:3] + base, (n, TOPK))


def _knn(points):
  bsz, n, _ = points.shape
  pointsT = jnp.swapaxes(points, 1, 2)
  out_shapes = (
      jax.ShapeDtypeStruct((bsz, n, TOPK), jnp.int32),
      jax.ShapeDtypeStruct((bsz, n, TOPK), jnp.float32),
      jax.ShapeDtypeStruct((bsz, n, TOPK), jnp.int32),
      jax.ShapeDtypeStruct((bsz, n, TOPK), jnp.int32),
      jax.ShapeDtypeStruct((bsz, n, TOPK), jnp.int32),
      jax.ShapeDtypeStruct((bsz, n, TOPK), jnp.int32),
  )
  out_spec = pl.BlockSpec((1, n, TOPK), lambda b: (b, 0, 0))
  return pl.pallas_call(
      _knn_body,
      grid=(bsz,),
      in_specs=[
          pl.BlockSpec((1, n, 3), lambda b: (b, 0, 0)),
          pl.BlockSpec((1, 3, n), lambda b: (b, 0, 0)),
      ],
      out_specs=(out_spec,) * 6,
      out_shape=out_shapes,
      scratch_shapes=[pltpu.VMEM((n, n), jnp.float32)],
  )(points, pointsT)


def _gather_rows(table16, idx_flat):
  total = idx_flat.shape[0]
  per_worker = total // NUM_WORKERS
  chunk = per_worker // GATHER_CHUNKS
  mesh = plsc.VectorSubcoreMesh(core_axis_name="c", subcore_axis_name="s")

  @functools.partial(
      pl.kernel,
      out_type=jax.ShapeDtypeStruct((total, 16), jnp.float32),
      mesh=mesh,
      scratch_types=[
          pltpu.VMEM((chunk,), jnp.int32),
          pltpu.VMEM((chunk, 16), jnp.float32),
          pltpu.SemaphoreType.DMA,
      ],
      compiler_params=pltpu.CompilerParams(use_tc_tiling_on_sc=False),
  )
  def gather_kernel(tbl_hbm, idx_hbm, out_hbm, idx_v, rows_v, sem):
    wid = lax.axis_index("s") * 2 + lax.axis_index("c")
    for c in range(GATHER_CHUNKS):
      base = (wid * GATHER_CHUNKS + c) * chunk
      pltpu.sync_copy(idx_hbm.at[pl.ds(base, chunk)], idx_v)
      pltpu.async_copy(tbl_hbm.at[idx_v], rows_v, sem).wait()
      pltpu.sync_copy(rows_v, out_hbm.at[pl.ds(base, chunk)])

  return gather_kernel(table16, idx_flat)


_INV_2PI = float(1.0 / (2.0 * np.pi))
_SIN_C = (6.283088463027395, -41.333247542218885, 81.40008976706689,
          -74.6758838695101, 33.16809461334915)
_COS_C = (0.9999994434155783, -19.739034322006077, 64.93061147431379,
          -85.29594600637847, 58.912422344014445, -21.282776325506184)


def _sincos(t):
  r = t * _INV_2PI
  r = r - jnp.round(r)
  s2 = r * r
  s = jnp.float32(_SIN_C[-1])
  for a in _SIN_C[-2::-1]:
    s = s * s2 + jnp.float32(a)
  s = s * r
  c = jnp.float32(_COS_C[-1])
  for a in _COS_C[-2::-1]:
    c = c * s2 + jnp.float32(a)
  return s, c


def _embed_body(nbr_ref, ctr_ref, r0_ref, r1_ref, r2_ref, sqd_ref, wdp_ref,
                wap_ref, bd_ref, ba_ref, out_ref):
  ax = nbr_ref[:, 0:1] - ctr_ref[:, 0:1]
  ay = nbr_ref[:, 1:2] - ctr_ref[:, 1:2]
  az = nbr_ref[:, 2:3] - ctr_ref[:, 2:3]

  jj = lax.broadcasted_iota(jnp.int32, (1, HALF), 1).astype(jnp.float32)
  div = jnp.exp(jj * (2.0 * NEG_LOG1E4 / HID))

  d_ind = jnp.sqrt(jnp.maximum(sqd_ref[:, :], 1e-8)) * (1.0 / SIGMA_D)
  om = d_ind * div
  s_d, c_d = _sincos(om)
  embd = jnp.concatenate([s_d, c_d], axis=1).astype(jnp.bfloat16)
  acc = jnp.dot(embd, wdp_ref[:, :], preferred_element_type=jnp.float32)

  amax = None
  for r_ref in (r0_ref, r1_ref, r2_ref):
    rx = r_ref[:, 0:1] - nbr_ref[:, 0:1]
    ry = r_ref[:, 1:2] - nbr_ref[:, 1:2]
    rz = r_ref[:, 2:3] - nbr_ref[:, 2:3]
    cx = ry * az - rz * ay
    cy = rz * ax - rx * az
    cz = rx * ay - ry * ax
    sinv = jnp.sqrt(cx * cx + cy * cy + cz * cz)
    cosv = rx * ax + ry * ay + rz * az
    cosv = jnp.where(cosv == 0.0, 0.0, cosv)
    ang = jnp.arctan2(sinv, cosv) * FACTOR_A
    oma = ang * div
    s_a, c_a = _sincos(oma)
    emba = jnp.concatenate([s_a, c_a], axis=1).astype(jnp.bfloat16)
    e = jnp.dot(emba, wap_ref[:, :], preferred_element_type=jnp.float32)
    amax = e if amax is None else jnp.maximum(amax, e)

  out_ref[:, :] = acc + amax + bd_ref[:, :] + ba_ref[:, :]


def _embed(nbr, ctr, r0, r1, r2, sqd_tok, wdp, wap, bd, ba, tile):
  tok = nbr.shape[0]
  grid = tok // tile
  tok_spec = pl.BlockSpec((tile, 16), lambda i: (i, 0))
  return pl.pallas_call(
      _embed_body,
      grid=(grid,),
      in_specs=[
          tok_spec, tok_spec, tok_spec, tok_spec, tok_spec,
          pl.BlockSpec((tile, 1), lambda i: (i, 0)),
          pl.BlockSpec((HID, HID), lambda i: (0, 0)),
          pl.BlockSpec((HID, HID), lambda i: (0, 0)),
          pl.BlockSpec((1, HID), lambda i: (0, 0)),
          pl.BlockSpec((1, HID), lambda i: (0, 0)),
      ],
      out_specs=pl.BlockSpec((tile, HID), lambda i: (i, 0)),
      out_shape=jax.ShapeDtypeStruct((tok, HID), jnp.float32),
  )(nbr, ctr, r0, r1, r2, sqd_tok, wdp, wap, bd, ba)


def kernel(points, Wd, bd, Wa, ba):
  bsz, n, _ = points.shape
  k = min(TOPK, n)
  tok = bsz * n * k

  knn_idx, sqd, nbrf, r0f, r1f, r2f = _knn(points)

  table16 = jnp.pad(points.reshape(bsz * n, 3), ((0, 0), (0, 13)))
  ctrf = jnp.repeat(jnp.arange(bsz * n, dtype=jnp.int32), k)
  idx_all = jnp.concatenate([
      nbrf.reshape(-1), ctrf, r0f.reshape(-1), r1f.reshape(-1),
      r2f.reshape(-1)
  ])
  rows = _gather_rows(table16, idx_all)
  nbr = rows[0 * tok:1 * tok]
  ctr = rows[1 * tok:2 * tok]
  rf0 = rows[2 * tok:3 * tok]
  rf1 = rows[3 * tok:4 * tok]
  rf2 = rows[4 * tok:5 * tok]

  wdp = jnp.concatenate([Wd[:, 0::2], Wd[:, 1::2]], axis=1).T.astype(jnp.bfloat16)
  wap = jnp.concatenate([Wa[:, 0::2], Wa[:, 1::2]], axis=1).T.astype(jnp.bfloat16)

  emb = _embed(nbr, ctr, rf0, rf1, rf2, sqd.reshape(tok, 1), wdp, wap,
               bd.reshape(1, HID), ba.reshape(1, HID), tile=1024)
  return emb.reshape(bsz, n, k, HID), knn_idx

# --- scband reference (transcript-rebuilt; emitter-appended) ---
"""Pipeline reference for scband-geometric-structure-embedding-81054622810268 (READ-ONLY COPY).

The authoritative reference and input builder live on the scoring server;
editing this copy changes nothing except your own understanding.
"""

import jax, jax.numpy as jnp
import numpy as np

HIDDEN_DIM = 256
SIGMA_D = 0.2
SIGMA_A = 15.0
ANGLE_K = 3
K = 35
FACTOR_A = 180.0 / (SIGMA_A * np.pi)


def setup_inputs(seed: int = 0) -> dict:
    key = jax.random.key(seed)
    k1, k2, k3 = jax.random.split(key, 3)
    points = jax.random.uniform(k1, (2, 1024, 3), dtype=jnp.float32)
    Wd = jax.random.normal(k2, (HIDDEN_DIM, HIDDEN_DIM), dtype=jnp.float32) * (1.0 / np.sqrt(HIDDEN_DIM))
    bd = jnp.zeros((HIDDEN_DIM,), dtype=jnp.float32)
    Wa = jax.random.normal(k3, (HIDDEN_DIM, HIDDEN_DIM), dtype=jnp.float32) * (1.0 / np.sqrt(HIDDEN_DIM))
    ba = jnp.zeros((HIDDEN_DIM,), dtype=jnp.float32)
    return {"points": points, "Wd": Wd, "bd": bd, "Wa": Wa, "ba": ba}


def _sinusoidal_embedding(x, d_model):
    div_indices = jnp.arange(0, d_model, 2, dtype=jnp.float32)
    div_term = jnp.exp(div_indices * (-np.log(10000.0) / d_model))
    omegas = x[..., None] * div_term  # [..., d_model/2]
    emb = jnp.stack([jnp.sin(omegas), jnp.cos(omegas)], axis=-1)  # [..., d/2, 2]
    return emb.reshape(x.shape + (d_model,))


def _get_embedding_indices(points):
    B, N, _ = points.shape
    dis_k = min(K, N)
    # brute-force kNN: pairwise squared distances + top-k smallest
    d2 = jnp.sum((points[:, :, None, :] - points[:, None, :, :]) ** 2, axis=-1)  # [B,N,N]
    neg_vals, knn_idx = jax.lax.top_k(-d2, dis_k)  # ascending distance order
    dists = -neg_vals  # squared distances, [B,N,K]
    knn_pts = jax.vmap(lambda p, i: p[i])(points, knn_idx)  # [B,N,K,3]
    dist_map = jnp.sqrt(jnp.maximum(dists, 1e-8))
    d_indices = dist_map / SIGMA_D
    center = points[:, :, None, :]
    diff_vec = knn_pts - center  # [B,N,K,3]
    ref_idx = knn_idx[:, :, :ANGLE_K]
    knn_ref_pts = jax.vmap(lambda p, i: p[i])(points, ref_idx)  # [B,N,ang_k,3]
    anc = diff_vec[:, :, :, None, :]  # [B,N,K,1,3]
    ref = knn_ref_pts[:, :, None, :, :] - knn_pts[:, :, :, None, :]  # [B,N,K,ang_k,3]
    cross = jnp.cross(ref, jnp.broadcast_to(anc, ref.shape))
    sin_v = jnp.linalg.norm(cross, axis=-1)
    cos_v = jnp.sum(ref * anc, axis=-1)
    angles = jnp.arctan2(sin_v, cos_v)
    a_indices = angles * FACTOR_A  # [B,N,K,ang_k]
    return d_indices, a_indices, knn_idx


def reference(points, Wd, bd, Wa, ba):
    d_indices, a_indices, knn_idx = _get_embedding_indices(points)
    d_emb = _sinusoidal_embedding(d_indices, HIDDEN_DIM) @ Wd.T + bd  # [B,N,K,H]
    a_emb = _sinusoidal_embedding(a_indices, HIDDEN_DIM) @ Wa.T + ba  # [B,N,K,ang_k,H]
    a_emb = jnp.max(a_emb, axis=3)  # reduction_a == 'max'
    embeddings = d_emb + a_emb
    return embeddings, knn_idx

if __name__ == "__main__":
    import jax
    _d = setup_inputs()
    print(jax.jit(kernel)(*tuple(_d.values())))

</pallas_src>

<mosaic_0001>
#map = affine_map<(d0, d1) -> (0, 0)>
#map1 = affine_map<(d0, d1) -> (0)>
module attributes {stable_mosaic.version = 14 : i64} {
  func.func @gather_kernel(%arg0: i32, %arg1: i32, %arg2: memref<2048x16xf32, #tpu.memory_space<hbm>>, %arg3: memref<358400xi32, #tpu.memory_space<hbm>>, %arg4: memref<358400x16xf32, #tpu.memory_space<hbm>>, %arg5: memref<2240xi32, #tpu.memory_space<vmem>>, %arg6: memref<2240x16xf32, #tpu.memory_space<vmem>>, %arg7: memref<!tpu.dma_semaphore, #tpu.memory_space<semaphore_mem>>) attributes {dimension_semantics = [#tpu.dimension_semantics<core_parallel>, #tpu.dimension_semantics<subcore_parallel>], iteration_bounds = array<i64: 2, 16>, scalar_prefetch = 0 : i64, scratch_operands = 3 : i64, tpu.core_type = #tpu.core_type<sc_vector_subcore>, window_params = [{transform_indices = #map}, {transform_indices = #map1}, {transform_indices = #map}]} {
    %mul3A = arith.constant 2 : i32
    %mul3A_0 = arith.muli %arg1, %mul3A : i32
    %add3A = arith.addi %mul3A_0, %arg0 : i32
    %mul3A_1 = arith.constant 5 : i32
    %mul3A_2 = arith.muli %add3A, %mul3A_1 : i32
    %add3A_3 = arith.constant 0 : i32
    %add3A_4 = arith.addi %mul3A_2, %add3A_3 : i32
    %mul3A_5 = arith.constant 2240 : i32
    %mul3A_6 = arith.muli %add3A_4, %mul3A_5 : i32
    "tpu.region"() ({
      %run_scoped3A = tpu.sem_alloc : memref<!tpu.dma_semaphore, #tpu.memory_space<semaphore_mem>>
      %dma_start3A_59 = tpu.memref_slice %arg3[%mul3A_6] : memref<358400xi32, #tpu.memory_space<hbm>> -> memref<2240xi32, #tpu.memory_space<hbm>>
      %dma_start3A_60 = tpu.memref_slice %arg3[%mul3A_6] : memref<358400xi32, #tpu.memory_space<hbm>> -> memref<2240xi32, #tpu.memory_space<hbm>>
      tpu.enqueue_dma source(%dma_start3A_60 : memref<2240xi32, #tpu.memory_space<hbm>>) target(%arg5 : memref<2240xi32, #tpu.memory_space<vmem>>) target_semaphore(%run_scoped3A : memref<!tpu.dma_semaphore, #tpu.memory_space<semaphore_mem>>)
      %dma_wait3A_61 = tpu.memref_slice %arg3[%mul3A_6] : memref<358400xi32, #tpu.memory_space<hbm>> -> memref<2240xi32, #tpu.memory_space<hbm>>
      %dma_wait3A_62 = tpu.memref_slice %arg3[%mul3A_6] : memref<358400xi32, #tpu.memory_space<hbm>> -> memref<2240xi32, #tpu.memory_space<hbm>>
      tpu.wait_dma2 semaphore(%run_scoped3A : memref<!tpu.dma_semaphore, #tpu.memory_space<semaphore_mem>>) src(%dma_wait3A_62 : memref<2240xi32, #tpu.memory_space<hbm>>) dst(%arg5 : memref<2240xi32, #tpu.memory_space<vmem>>)
      tpu.yield
    }) : () -> ()
    %dma_start3A = arith.constant 0 : i32
    %dma_start3A_7 = arith.constant 0 : i32
    %dma_start3A_8 = tpu.memref_slice %arg2[%dma_start3A, %dma_start3A_7] : memref<2048x16xf32, #tpu.memory_space<hbm>> -> memref<2048x16xf32, #tpu.memory_space<hbm>>
    tpu.enqueue_indirect_dma source(%dma_start3A_8 : memref<2048x16xf32, #tpu.memory_space<hbm>>) target(%arg6 : memref<2240x16xf32, #tpu.memory_space<vmem>>) offsets(%arg5 : memref<2240xi32, #tpu.memory_space<vmem>>) semaphore(%arg7 : memref<!tpu.dma_semaphore, #tpu.memory_space<semaphore_mem>>)
    %dma_wait3A = arith.constant 0 : i32
    %dma_wait3A_9 = arith.constant 0 : i32
    %dma_wait3A_10 = tpu.memref_slice %arg2[%dma_wait3A, %dma_wait3A_9] : memref<2048x16xf32, #tpu.memory_space<hbm>> -> memref<2048x16xf32, #tpu.memory_space<hbm>>
    tpu.wait_indirect_dma semaphore(%arg7 : memref<!tpu.dma_semaphore, #tpu.memory_space<semaphore_mem>>) src(%dma_wait3A_10 : memref<2048x16xf32, #tpu.memory_space<hbm>>) dst(%arg6 : memref<2240x16xf32, #tpu.memory_space<vmem>>)
    "tpu.region"() ({
      %run_scoped3A = tpu.sem_alloc : memref<!tpu.dma_semaphore, #tpu.memory_space<semaphore_mem>>
      %dma_start3A_59 = arith.constant 0 : i32
      %dma_start3A_60 = tpu.memref_slice %arg4[%mul3A_6, %dma_start3A_59] : memref<358400x16xf32, #tpu.memory_space<hbm>> -> memref<2240x16xf32, #tpu.memory_space<hbm>>
      %dma_start3A_61 = arith.constant 0 : i32
      %dma_start3A_62 = tpu.memref_slice %arg4[%mul3A_6, %dma_start3A_61] : memref<358400x16xf32, #tpu.memory_space<hbm>> -> memref<2240x16xf32, #tpu.memory_space<hbm>>
      tpu.enqueue_dma source(%arg6 : memref<2240x16xf32, #tpu.memory_space<vmem>>) target(%dma_start3A_62 : memref<2240x16xf32, #tpu.memory_space<hbm>>) target_semaphore(%run_scoped3A : memref<!tpu.dma_semaphore, #tpu.memory_space<semaphore_mem>>)
      %dma_wait3A_63 = arith.constant 0 : i32
      %dma_wait3A_64 = tpu.memref_slice %arg4[%mul3A_6, %dma_wait3A_63] : memref<358400x16xf32, #tpu.memory_space<hbm>> -> memref<2240x16xf32, #tpu.memory_space<hbm>>
      %dma_wait3A_65 = arith.constant 0 : i32
      %dma_wait3A_66 = tpu.memref_slice %arg4[%mul3A_6, %dma_wait3A_65] : memref<358400x16xf32, #tpu.memory_space<hbm>> -> memref<2240x16xf32, #tpu.memory_space<hbm>>
      tpu.wait_dma2 semaphore(%run_scoped3A : memref<!tpu.dma_semaphore, #tpu.memory_space<semaphore_mem>>) src(%arg6 : memref<2240x16xf32, #tpu.memory_space<vmem>>) dst(%dma_wait3A_66 : memref<2240x16xf32, #tpu.memory_space<hbm>>)
      tpu.yield
    }) : () -> ()
    %mul3A_11 = arith.constant 5 : i32
    %mul3A_12 = arith.muli %add3A, %mul3A_11 : i32
    %add3A_13 = arith.constant 1 : i32
    %add3A_14 = arith.addi %mul3A_12, %add3A_13 : i32
    %mul3A_15 = arith.constant 2240 : i32
    %mul3A_16 = arith.muli %add3A_14, %mul3A_15 : i32
    "tpu.region"() ({
      %run_scoped3A = tpu.sem_alloc : memref<!tpu.dma_semaphore, #tpu.memory_space<semaphore_mem>>
      %dma_start3A_59 = tpu.memref_slice %arg3[%mul3A_16] : memref<358400xi32, #tpu.memory_space<hbm>> -> memref<2240xi32, #tpu.memory_space<hbm>>
      %dma_start3A_60 = tpu.memref_slice %arg3[%mul3A_16] : memref<358400xi32, #tpu.memory_space<hbm>> -> memref<2240xi32, #tpu.memory_space<hbm>>
      tpu.enqueue_dma source(%dma_start3A_60 : memref<2240xi32, #tpu.memory_space<hbm>>) target(%arg5 : memref<2240xi32, #tpu.memory_space<vmem>>) target_semaphore(%run_scoped3A : memref<!tpu.dma_semaphore, #tpu.memory_space<semaphore_mem>>)
      %dma_wait3A_61 = tpu.memref_slice %arg3[%mul3A_16] : memref<358400xi32, #tpu.memory_space<hbm>> -> memref<2240xi32, #tpu.memory_space<hbm>>
      %dma_wait3A_62 = tpu.memref_slice %arg3[%mul3A_16] : memref<358400xi32, #tpu.memory_space<hbm>> -> memref<2240xi32, #tpu.memory_space<hbm>>
      tpu.wait_dma2 semaphore(%run_scoped3A : memref<!tpu.dma_semaphore, #tpu.memory_space<semaphore_mem>>) src(%dma_wait3A_62 : memref<2240xi32, #tpu.memory_space<hbm>>) dst(%arg5 : memref<2240xi32, #tpu.memory_space<vmem>>)
      tpu.yield
    }) : () -> ()
    %dma_start3A_17 = arith.constant 0 : i32
    %dma_start3A_18 = arith.constant 0 : i32
    %dma_start3A_19 = tpu.memref_slice %arg2[%dma_start3A_17, %dma_start3A_18] : memref<2048x16xf32, #tpu.memory_space<hbm>> -> memref<2048x16xf32, #tpu.memory_space<hbm>>
    tpu.enqueue_indirect_dma source(%dma_start3A_19 : memref<2048x16xf32, #tpu.memory_space<hbm>>) target(%arg6 : memref<2240x16xf32, #tpu.memory_space<vmem>>) offsets(%arg5 : memref<2240xi32, #tpu.memory_space<vmem>>) semaphore(%arg7 : memref<!tpu.dma_semaphore, #tpu.memory_space<semaphore_mem>>)
    %dma_wait3A_20 = arith.constant 0 : i32
    %dma_wait3A_21 = arith.constant 0 : i32
    %dma_wait3A_22 = tpu.memref_slice %arg2[%dma_wait3A_20, %dma_wait3A_21] : memref<2048x16xf32, #tpu.memory_space<hbm>> -> memref<2048x16xf32, #tpu.memory_space<hbm>>
    tpu.wait_indirect_dma semaphore(%arg7 : memref<!tpu.dma_semaphore, #tpu.memory_space<semaphore_mem>>) src(%dma_wait3A_22 : memref<2048x16xf32, #tpu.memory_space<hbm>>) dst(%arg6 : memref<2240x16xf32, #tpu.memory_space<vmem>>)
    "tpu.region"() ({
      %run_scoped3A = tpu.sem_alloc : memref<!tpu.dma_semaphore, #tpu.memory_space<semaphore_mem>>
      %dma_start3A_59 = arith.constant 0 : i32
      %dma_start3A_60 = tpu.memref_slice %arg4[%mul3A_16, %dma_start3A_59] : memref<358400x16xf32, #tpu.memory_space<hbm>> -> memref<2240x16xf32, #tpu.memory_space<hbm>>
      %dma_start3A_61 = arith.constant 0 : i32
      %dma_start3A_62 = tpu.memref_slice %arg4[%mul3A_16, %dma_start3A_61] : memref<358400x16xf32, #tpu.memory_space<hbm>> -> memref<2240x16xf32, #tpu.memory_space<hbm>>
      tpu.enqueue_dma source(%arg6 : memref<2240x16xf32, #tpu.memory_space<vmem>>) target(%dma_start3A_62 : memref<2240x16xf32, #tpu.memory_space<hbm>>) target_semaphore(%run_scoped3A : memref<!tpu.dma_semaphore, #tpu.memory_space<semaphore_mem>>)
      %dma_wait3A_63 = arith.constant 0 : i32
      %dma_wait3A_64 = tpu.memref_slice %arg4[%mul3A_16, %dma_wait3A_63] : memref<358400x16xf32, #tpu.memory_space<hbm>> -> memref<2240x16xf32, #tpu.memory_space<hbm>>
      %dma_wait3A_65 = arith.constant 0 : i32
      %dma_wait3A_66 = tpu.memref_slice %arg4[%mul3A_16, %dma_wait3A_65] : memref<358400x16xf32, #tpu.memory_space<hbm>> -> memref<2240x16xf32, #tpu.memory_space<hbm>>
      tpu.wait_dma2 semaphore(%run_scoped3A : memref<!tpu.dma_semaphore, #tpu.memory_space<semaphore_mem>>) src(%arg6 : memref<2240x16xf32, #tpu.memory_space<vmem>>) dst(%dma_wait3A_66 : memref<2240x16xf32, #tpu.memory_space<hbm>>)
      tpu.yield
    }) : () -> ()
    %mul3A_23 = arith.constant 5 : i32
    %mul3A_24 = arith.muli %add3A, %mul3A_23 : i32
    %add3A_25 = arith.constant 2 : i32
    %add3A_26 = arith.addi %mul3A_24, %add3A_25 : i32
    %mul3A_27 = arith.constant 2240 : i32
    %mul3A_28 = arith.muli %add3A_26, %mul3A_27 : i32
    "tpu.region"() ({
      %run_scoped3A = tpu.sem_alloc : memref<!tpu.dma_semaphore, #tpu.memory_space<semaphore_mem>>
      %dma_start3A_59 = tpu.memref_slice %arg3[%mul3A_28] : memref<358400xi32, #tpu.memory_space<hbm>> -> memref<2240xi32, #tpu.memory_space<hbm>>
      %dma_start3A_60 = tpu.memref_slice %arg3[%mul3A_28] : memref<358400xi32, #tpu.memory_space<hbm>> -> memref<2240xi32, #tpu.memory_space<hbm>>
      tpu.enqueue_dma source(%dma_start3A_60 : memref<2240xi32, #tpu.memory_space<hbm>>) target(%arg5 : memref<2240xi32, #tpu.memory_space<vmem>>) target_semaphore(%run_scoped3A : memref<!tpu.dma_semaphore, #tpu.memory_space<semaphore_mem>>)
      %dma_wait3A_61 = tpu.memref_slice %arg3[%mul3A_28] : memref<358400xi32, #tpu.memory_space<hbm>> -> memref<2240xi32, #tpu.memory_space<hbm>>
      %dma_wait3A_62 = tpu.memref_slice %arg3[%mul3A_28] : memref<358400xi32, #tpu.memory_space<hbm>> -> memref<2240xi32, #tpu.memory_space<hbm>>
      tpu.wait_dma2 semaphore(%run_scoped3A : memref<!tpu.dma_semaphore, #tpu.memory_space<semaphore_mem>>) src(%dma_wait3A_62 : memref<2240xi32, #tpu.memory_space<hbm>>) dst(%arg5 : memref<2240xi32, #tpu.memory_space<vmem>>)
      tpu.yield
    }) : () -> ()
    %dma_start3A_29 = arith.constant 0 : i32
    %dma_start3A_30 = arith.constant 0 : i32
    %dma_start3A_31 = tpu.memref_slice %arg2[%dma_start3A_29, %dma_start3A_30] : memref<2048x16xf32, #tpu.memory_space<hbm>> -> memref<2048x16xf32, #tpu.memory_space<hbm>>
    tpu.enqueue_indirect_dma source(%dma_start3A_31 : memref<2048x16xf32, #tpu.memory_space<hbm>>) target(%arg6 : memref<2240x16xf32, #tpu.memory_space<vmem>>) offsets(%arg5 : memref<2240xi32, #tpu.memory_space<vmem>>) semaphore(%arg7 : memref<!tpu.dma_semaphore, #tpu.memory_space<semaphore_mem>>)
    %dma_wait3A_32 = arith.constant 0 : i32
    %dma_wait3A_33 = arith.constant 0 : i32
    %dma_wait3A_34 = tpu.memref_slice %arg2[%dma_wait3A_32, %dma_wait3A_33] : memref<2048x16xf32, #tpu.memory_space<hbm>> -> memref<2048x16xf32, #tpu.memory_space<hbm>>
    tpu.wait_indirect_dma semaphore(%arg7 : memref<!tpu.dma_semaphore, #tpu.memory_space<semaphore_mem>>) src(%dma_wait3A_34 : memref<2048x16xf32, #tpu.memory_space<hbm>>) dst(%arg6 : memref<2240x16xf32, #tpu.memory_space<vmem>>)
    "tpu.region"() ({
      %run_scoped3A = tpu.sem_alloc : memref<!tpu.dma_semaphore, #tpu.memory_space<semaphore_mem>>
      %dma_start3A_59 = arith.constant 0 : i32
      %dma_start3A_60 = tpu.memref_slice %arg4[%mul3A_28, %dma_start3A_59] : memref<358400x16xf32, #tpu.memory_space<hbm>> -> memref<2240x16xf32, #tpu.memory_space<hbm>>
      %dma_start3A_61 = arith.constant 0 : i32
      %dma_start3A_62 = tpu.memref_slice %arg4[%mul3A_28, %dma_start3A_61] : memref<358400x16xf32, #tpu.memory_space<hbm>> -> memref<2240x16xf32, #tpu.memory_space<hbm>>
      tpu.enqueue_dma source(%arg6 : memref<2240x16xf32, #tpu.memory_space<vmem>>) target(%dma_start3A_62 : memref<2240x16xf32, #tpu.memory_space<hbm>>) target_semaphore(%run_scoped3A : memref<!tpu.dma_semaphore, #tpu.memory_space<semaphore_mem>>)
      %dma_wait3A_63 = arith.constant 0 : i32
      %dma_wait3A_64 = tpu.memref_slice %arg4[%mul3A_28, %dma_wait3A_63] : memref<358400x16xf32, #tpu.memory_space<hbm>> -> memref<2240x16xf32, #tpu.memory_space<hbm>>
      %dma_wait3A_65 = arith.constant 0 : i32
      %dma_wait3A_66 = tpu.memref_slice %arg4[%mul3A_28, %dma_wait3A_65] : memref<358400x16xf32, #tpu.memory_space<hbm>> -> memref<2240x16xf32, #tpu.memory_space<hbm>>
      tpu.wait_dma2 semaphore(%run_scoped3A : memref<!tpu.dma_semaphore, #tpu.memory_space<semaphore_mem>>) src(%arg6 : memref<2240x16xf32, #tpu.memory_space<vmem>>) dst(%dma_wait3A_66 : memref<2240x16xf32, #tpu.memory_space<hbm>>)
      tpu.yield
    }) : () -> ()
    %mul3A_35 = arith.constant 5 : i32
    %mul3A_36 = arith.muli %add3A, %mul3A_35 : i32
    %add3A_37 = arith.constant 3 : i32
    %add3A_38 = arith.addi %mul3A_36, %add3A_37 : i32
    %mul3A_39 = arith.constant 2240 : i32
    %mul3A_40 = arith.muli %add3A_38, %mul3A_39 : i32
    "tpu.region"() ({
      %run_scoped3A = tpu.sem_alloc : memref<!tpu.dma_semaphore, #tpu.memory_space<semaphore_mem>>
      %dma_start3A_59 = tpu.memref_slice %arg3[%mul3A_40] : memref<358400xi32, #tpu.memory_space<hbm>> -> memref<2240xi32, #tpu.memory_space<hbm>>
      %dma_start3A_60 = tpu.memref_slice %arg3[%mul3A_40] : memref<358400xi32, #tpu.memory_space<hbm>> -> memref<2240xi32, #tpu.memory_space<hbm>>
      tpu.enqueue_dma source(%dma_start3A_60 : memref<2240xi32, #tpu.memory_space<hbm>>) target(%arg5 : memref<2240xi32, #tpu.memory_space<vmem>>) target_semaphore(%run_scoped3A : memref<!tpu.dma_semaphore, #tpu.memory_space<semaphore_mem>>)
      %dma_wait3A_61 = tpu.memref_slice %arg3[%mul3A_40] : memref<358400xi32, #tpu.memory_space<hbm>> -> memref<2240xi32, #tpu.memory_space<hbm>>
      %dma_wait3A_62 = tpu.memref_slice %arg3[%mul3A_40] : memref<358400xi32, #tpu.memory_space<hbm>> -> memref<2240xi32, #tpu.memory_space<hbm>>
      tpu.wait_dma2 semaphore(%run_scoped3A : memref<!tpu.dma_semaphore, #tpu.memory_space<semaphore_mem>>) src(%dma_wait3A_62 : memref<2240xi32, #tpu.memory_space<hbm>>) dst(%arg5 : memref<2240xi32, #tpu.memory_space<vmem>>)
      tpu.yield
    }) : () -> ()
    %dma_start3A_41 = arith.constant 0 : i32
    %dma_start3A_42 = arith.constant 0 : i32
    %dma_start3A_43 = tpu.memref_slice %arg2[%dma_start3A_41, %dma_start3A_42] : memref<2048x16xf32, #tpu.memory_space<hbm>> -> memref<2048x16xf32, #tpu.memory_space<hbm>>
    tpu.enqueue_indirect_dma source(%dma_start3A_43 : memref<2048x16xf32, #tpu.memory_space<hbm>>) target(%arg6 : memref<2240x16xf32, #tpu.memory_space<vmem>>) offsets(%arg5 : memref<2240xi32, #tpu.memory_space<vmem>>) semaphore(%arg7 : memref<!tpu.dma_semaphore, #tpu.memory_space<semaphore_mem>>)
    %dma_wait3A_44 = arith.constant 0 : i32
    %dma_wait3A_45 = arith.constant 0 : i32
    %dma_wait3A_46 = tpu.memref_slice %arg2[%dma_wait3A_44, %dma_wait3A_45] : memref<2048x16xf32, #tpu.memory_space<hbm>> -> memref<2048x16xf32, #tpu.memory_space<hbm>>
    tpu.wait_indirect_dma semaphore(%arg7 : memref<!tpu.dma_semaphore, #tpu.memory_space<semaphore_mem>>) src(%dma_wait3A_46 : memref<2048x16xf32, #tpu.memory_space<hbm>>) dst(%arg6 : memref<2240x16xf32, #tpu.memory_space<vmem>>)
    "tpu.region"() ({
      %run_scoped3A = tpu.sem_alloc : memref<!tpu.dma_semaphore, #tpu.memory_space<semaphore_mem>>
      %dma_start3A_59 = arith.constant 0 : i32
      %dma_start3A_60 = tpu.memref_slice %arg4[%mul3A_40, %dma_start3A_59] : memref<358400x16xf32, #tpu.memory_space<hbm>> -> memref<2240x16xf32, #tpu.memory_space<hbm>>
      %dma_start3A_61 = arith.constant 0 : i32
      %dma_start3A_62 = tpu.memref_slice %arg4[%mul3A_40, %dma_start3A_61] : memref<358400x16xf32, #tpu.memory_space<hbm>> -> memref<2240x16xf32, #tpu.memory_space<hbm>>
      tpu.enqueue_dma source(%arg6 : memref<2240x16xf32, #tpu.memory_space<vmem>>) target(%dma_start3A_62 : memref<2240x16xf32, #tpu.memory_space<hbm>>) target_semaphore(%run_scoped3A : memref<!tpu.dma_semaphore, #tpu.memory_space<semaphore_mem>>)
      %dma_wait3A_63 = arith.constant 0 : i32
      %dma_wait3A_64 = tpu.memref_slice %arg4[%mul3A_40, %dma_wait3A_63] : memref<358400x16xf32, #tpu.memory_space<hbm>> -> memref<2240x16xf32, #tpu.memory_space<hbm>>
      %dma_wait3A_65 = arith.constant 0 : i32
      %dma_wait3A_66 = tpu.memref_slice %arg4[%mul3A_40, %dma_wait3A_65] : memref<358400x16xf32, #tpu.memory_space<hbm>> -> memref<2240x16xf32, #tpu.memory_space<hbm>>
      tpu.wait_dma2 semaphore(%run_scoped3A : memref<!tpu.dma_semaphore, #tpu.memory_space<semaphore_mem>>) src(%arg6 : memref<2240x16xf32, #tpu.memory_space<vmem>>) dst(%dma_wait3A_66 : memref<2240x16xf32, #tpu.memory_space<hbm>>)
      tpu.yield
    }) : () -> ()
    %mul3A_47 = arith.constant 5 : i32
    %mul3A_48 = arith.muli %add3A, %mul3A_47 : i32
    %add3A_49 = arith.constant 4 : i32
    %add3A_50 = arith.addi %mul3A_48, %add3A_49 : i32
    %mul3A_51 = arith.constant 2240 : i32
    %mul3A_52 = arith.muli %add3A_50, %mul3A_51 : i32
    "tpu.region"() ({
      %run_scoped3A = tpu.sem_alloc : memref<!tpu.dma_semaphore, #tpu.memory_space<semaphore_mem>>
      %dma_start3A_59 = tpu.memref_slice %arg3[%mul3A_52] : memref<358400xi32, #tpu.memory_space<hbm>> -> memref<2240xi32, #tpu.memory_space<hbm>>
      %dma_start3A_60 = tpu.memref_slice %arg3[%mul3A_52] : memref<358400xi32, #tpu.memory_space<hbm>> -> memref<2240xi32, #tpu.memory_space<hbm>>
      tpu.enqueue_dma source(%dma_start3A_60 : memref<2240xi32, #tpu.memory_space<hbm>>) target(%arg5 : memref<2240xi32, #tpu.memory_space<vmem>>) target_semaphore(%run_scoped3A : memref<!tpu.dma_semaphore, #tpu.memory_space<semaphore_mem>>)
      %dma_wait3A_61 = tpu.memref_slice %arg3[%mul3A_52] : memref<358400xi32, #tpu.memory_space<hbm>> -> memref<2240xi32, #tpu.memory_space<hbm>>
      %dma_wait3A_62 = tpu.memref_slice %arg3[%mul3A_52] : memref<358400xi32, #tpu.memory_space<hbm>> -> memref<2240xi32, #tpu.memory_space<hbm>>
      tpu.wait_dma2 semaphore(%run_scoped3A : memref<!tpu.dma_semaphore, #tpu.memory_space<semaphore_mem>>) src(%dma_wait3A_62 : memref<2240xi32, #tpu.memory_space<hbm>>) dst(%arg5 : memref<2240xi32, #tpu.memory_space<vmem>>)
      tpu.yield
    }) : () -> ()
    %dma_start3A_53 = arith.constant 0 : i32
    %dma_start3A_54 = arith.constant 0 : i32
    %dma_start3A_55 = tpu.memref_slice %arg2[%dma_start3A_53, %dma_start3A_54] : memref<2048x16xf32, #tpu.memory_space<hbm>> -> memref<2048x16xf32, #tpu.memory_space<hbm>>
    tpu.enqueue_indirect_dma source(%dma_start3A_55 : memref<2048x16xf32, #tpu.memory_space<hbm>>) target(%arg6 : memref<2240x16xf32, #tpu.memory_space<vmem>>) offsets(%arg5 : memref<2240xi32, #tpu.memory_space<vmem>>) semaphore(%arg7 : memref<!tpu.dma_semaphore, #tpu.memory_space<semaphore_mem>>)
    %dma_wait3A_56 = arith.constant 0 : i32
    %dma_wait3A_57 = arith.constant 0 : i32
    %dma_wait3A_58 = tpu.memref_slice %arg2[%dma_wait3A_56, %dma_wait3A_57] : memref<2048x16xf32, #tpu.memory_space<hbm>> -> memref<2048x16xf32, #tpu.memory_space<hbm>>
    tpu.wait_indirect_dma semaphore(%arg7 : memref<!tpu.dma_semaphore, #tpu.memory_space<semaphore_mem>>) src(%dma_wait3A_58 : memref<2048x16xf32, #tpu.memory_space<hbm>>) dst(%arg6 : memref<2240x16xf32, #tpu.memory_space<vmem>>)
    "tpu.region"() ({
      %run_scoped3A = tpu.sem_alloc : memref<!tpu.dma_semaphore, #tpu.memory_space<semaphore_mem>>
      %dma_start3A_59 = arith.constant 0 : i32
      %dma_start3A_60 = tpu.memref_slice %arg4[%mul3A_52, %dma_start3A_59] : memref<358400x16xf32, #tpu.memory_space<hbm>> -> memref<2240x16xf32, #tpu.memory_space<hbm>>
      %dma_start3A_61 = arith.constant 0 : i32
      %dma_start3A_62 = tpu.memref_slice %arg4[%mul3A_52, %dma_start3A_61] : memref<358400x16xf32, #tpu.memory_space<hbm>> -> memref<2240x16xf32, #tpu.memory_space<hbm>>
      tpu.enqueue_dma source(%arg6 : memref<2240x16xf32, #tpu.memory_space<vmem>>) target(%dma_start3A_62 : memref<2240x16xf32, #tpu.memory_space<hbm>>) target_semaphore(%run_scoped3A : memref<!tpu.dma_semaphore, #tpu.memory_space<semaphore_mem>>)
      %dma_wait3A_63 = arith.constant 0 : i32
      %dma_wait3A_64 = tpu.memref_slice %arg4[%mul3A_52, %dma_wait3A_63] : memref<358400x16xf32, #tpu.memory_space<hbm>> -> memref<2240x16xf32, #tpu.memory_space<hbm>>
      %dma_wait3A_65 = arith.constant 0 : i32
      %dma_wait3A_66 = tpu.memref_slice %arg4[%mul3A_52, %dma_wait3A_65] : memref<358400x16xf32, #tpu.memory_space<hbm>> -> memref<2240x16xf32, #tpu.memory_space<hbm>>
      tpu.wait_dma2 semaphore(%run_scoped3A : memref<!tpu.dma_semaphore, #tpu.memory_space<semaphore_mem>>) src(%arg6 : memref<2240x16xf32, #tpu.memory_space<vmem>>) dst(%dma_wait3A_66 : memref<2240x16xf32, #tpu.memory_space<hbm>>)
      tpu.yield
    }) : () -> ()
    return
  }
}

module attributes {stable_mosaic.version = 14 : i64} {
  func.func @_knn_body(%arg0: i32, %arg1: memref<1x1024x3xf32, #tpu.memory_space<vmem>>, %arg2: memref<1x3x1024xf32, #tpu.memory_space<vmem>>, %arg3: memref<1x1024x35xi32, #tpu.memory_space<vmem>>, %arg4: memref<1x1024x35xf32, #tpu.memory_space<vmem>>, %arg5: memref<1x1024x35xi32, #tpu.memory_space<vmem>>, %arg6: memref<1x1024x35xi32, #tpu.memory_space<vmem>>, %arg7: memref<1x1024x35xi32, #tpu.memory_space<vmem>>, %arg8: memref<1x1024x35xi32, #tpu.memory_space<vmem>>, %arg9: memref<1024x1024xf32, #tpu.memory_space<vmem>>) attributes {dimension_semantics = [#tpu.dimension_semantics<arbitrary>], iteration_bounds = array<i64: 2>, scalar_prefetch = 0 : i64, scratch_operands = 1 : i64, tpu.core_type = #tpu.core_type<tc>, window_params = [{transform_indices = @transform_0, window_bounds = array<i64: 1, 1024, 3>}, {transform_indices = @transform_1, window_bounds = array<i64: 1, 3, 1024>}, {transform_indices = @transform_2, window_bounds = array<i64: 1, 1024, 35>}, {transform_indices = @transform_3, window_bounds = array<i64: 1, 1024, 35>}, {transform_indices = @transform_4, window_bounds = array<i64: 1, 1024, 35>}, {transform_indices = @transform_5, window_bounds = array<i64: 1, 1024, 35>}, {transform_indices = @transform_6, window_bounds = array<i64: 1, 1024, 35>}, {transform_indices = @transform_7, window_bounds = array<i64: 1, 1024, 35>}]} {
    %get3A = arith.constant 0 : index
    %get3A_0 = arith.constant 0 : index
    %get3A_1 = arith.constant 0 : index
    %get3A_2 = vector.load %arg1[%get3A, %get3A_0, %get3A_1] : memref<1x1024x3xf32, #tpu.memory_space<vmem>>, vector<1x1024x1xf32>
    %get3A_3 = vector.shape_cast %get3A_2 : vector<1x1024x1xf32> to vector<1024x1xf32>
    %get3A_4 = arith.constant 0 : index
    %get3A_5 = arith.constant 0 : index
    %get3A_6 = arith.constant 1 : index
    %get3A_7 = vector.load %arg1[%get3A_4, %get3A_5, %get3A_6] : memref<1x1024x3xf32, #tpu.memory_space<vmem>>, vector<1x1024x1xf32>
    %get3A_8 = vector.shape_cast %get3A_7 : vector<1x1024x1xf32> to vector<1024x1xf32>
    %get3A_9 = arith.constant 0 : index
    %get3A_10 = arith.constant 0 : index
    %get3A_11 = arith.constant 2 : index
    %get3A_12 = vector.load %arg1[%get3A_9, %get3A_10, %get3A_11] : memref<1x1024x3xf32, #tpu.memory_space<vmem>>, vector<1x1024x1xf32>
    %get3A_13 = vector.shape_cast %get3A_12 : vector<1x1024x1xf32> to vector<1024x1xf32>
    %get3A_14 = arith.constant 0 : index
    %get3A_15 = arith.constant 0 : index
    %get3A_16 = arith.constant 0 : index
    %get3A_17 = vector.load %arg2[%get3A_14, %get3A_15, %get3A_16] : memref<1x3x1024xf32, #tpu.memory_space<vmem>>, vector<1x1x1024xf32>
    %get3A_18 = vector.shape_cast %get3A_17 : vector<1x1x1024xf32> to vector<1x1024xf32>
    %get3A_19 = arith.constant 0 : index
    %get3A_20 = arith.constant 1 : index
    %get3A_21 = arith.constant 0 : index
    %get3A_22 = vector.load %arg2[%get3A_19, %get3A_20, %get3A_21] : memref<1x3x1024xf32, #tpu.memory_space<vmem>>, vector<1x1x1024xf32>
    %get3A_23 = vector.shape_cast %get3A_22 : vector<1x1x1024xf32> to vector<1x1024xf32>
    %get3A_24 = arith.constant 0 : index
    %get3A_25 = arith.constant 2 : index
    %get3A_26 = arith.constant 0 : index
    %get3A_27 = vector.load %arg2[%get3A_24, %get3A_25, %get3A_26] : memref<1x3x1024xf32, #tpu.memory_space<vmem>>, vector<1x1x1024xf32>
    %get3A_28 = vector.shape_cast %get3A_27 : vector<1x1x1024xf32> to vector<1x1024xf32>
    %sub3A = vector.broadcast %get3A_3 : vector<1024x1xf32> to vector<1024x1024xf32>
    %sub3A_29 = vector.broadcast %get3A_18 : vector<1x1024xf32> to vector<1024x1024xf32>
    %sub3A_30 = arith.subf %sub3A, %sub3A_29 : vector<1024x1024xf32>
    %sub3A_31 = vector.broadcast %get3A_8 : vector<1024x1xf32> to vector<1024x1024xf32>
    %sub3A_32 = vector.broadcast %get3A_23 : vector<1x1024xf32> to vector<1024x1024xf32>
    %sub3A_33 = arith.subf %sub3A_31, %sub3A_32 : vector<1024x1024xf32>
    %sub3A_34 = vector.broadcast %get3A_13 : vector<1024x1xf32> to vector<1024x1024xf32>
    %sub3A_35 = vector.broadcast %get3A_28 : vector<1x1024xf32> to vector<1024x1024xf32>
    %sub3A_36 = arith.subf %sub3A_34, %sub3A_35 : vector<1024x1024xf32>
    %mul3A = arith.mulf %sub3A_30, %sub3A_30 : vector<1024x1024xf32>
    %mul3A_37 = arith.mulf %sub3A_33, %sub3A_33 : vector<1024x1024xf32>
    %add3A = arith.addf %mul3A, %mul3A_37 : vector<1024x1024xf32>
    %mul3A_38 = arith.mulf %sub3A_36, %sub3A_36 : vector<1024x1024xf32>
    %add3A_39 = arith.addf %add3A, %mul3A_38 : vector<1024x1024xf32>
    %swap3A = arith.constant 0 : index
    %swap3A_40 = arith.constant 0 : index
    %swap3A_41 = vector.load %arg9[%swap3A, %swap3A_40] : memref<1024x1024xf32, #tpu.memory_space<vmem>>, vector<1024x1024xf32>
    tpu.vector_store %arg9[%swap3A, %swap3A_40], %add3A_39 {strides = array<i32>} : memref<1024x1024xf32, #tpu.memory_space<vmem>>, vector<1024x1024xf32>,
    %iota3A = tpu.iota {dimensions = array<i32: 1>} : vector<1024x1024xi32>
    %iota3A_42 = tpu.iota {dimensions = array<i32: 1>} : vector<1024x35xi32>
    %scan3A = arith.constant 0 : i32
    %scan3A_43 = arith.constant 7 : i32
    %scan3A_44 = arith.addi %scan3A, %scan3A_43 : i32
    %scan3A_45 = arith.constant 1 : i32
    scf.for %scan3A_93 = %scan3A to %scan3A_44 step %scan3A_45  : i32 {
      %get3A_94 = arith.constant 0 : index
      %get3A_95 = arith.constant 0 : index
      %get3A_96 = vector.load %arg9[%get3A_94, %get3A_95] : memref<1024x1024xf32, #tpu.memory_space<vmem>>, vector<1024x1024xf32>
      %get3A_97 = arith.constant 0 : index
      %get3A_98 = arith.constant 0 : index
      %get3A_99 = arith.constant 0 : index
      %get3A_100 = vector.load %arg3[%get3A_97, %get3A_98, %get3A_99] : memref<1x1024x35xi32, #tpu.memory_space<vmem>>, vector<1x1024x35xi32>
      %get3A_101 = vector.shape_cast %get3A_100 : vector<1x1024x35xi32> to vector<1024x35xi32>
      %get3A_102 = arith.constant 0 : index
      %get3A_103 = arith.constant 0 : index
      %get3A_104 = arith.constant 0 : index
      %get3A_105 = vector.load %arg4[%get3A_102, %get3A_103, %get3A_104] : memref<1x1024x35xf32, #tpu.memory_space<vmem>>, vector<1x1024x35xf32>
      %get3A_106 = vector.shape_cast %get3A_105 : vector<1x1024x35xf32> to vector<1024x35xf32>
      %reduce_min3A = arith.constant dense<0x7F800000> : vector<1024xf32>
      %reduce_min3A_107 = vector.multi_reduction <minimumf>, %get3A_96, %reduce_min3A [1] : vector<1024x1024xf32> to vector<1024xf32>
      %broadcast_in_dim3A_108 = vector.shape_cast %reduce_min3A_107 : vector<1024xf32> to vector<1024x1xf32>
      %eq3A = vector.broadcast %broadcast_in_dim3A_108 : vector<1024x1xf32> to vector<1024x1024xf32>
      %eq3A_109 = arith.cmpf oeq, %get3A_96, %eq3A : vector<1024x1024xf32>
      %jit3A = arith.constant 1024 : i32
      %broadcast_in_dim3A_110 = vector.broadcast %jit3A : i32 to vector<1024x1024xi32>
      %select_n3A = arith.select %eq3A_109, %iota3A, %broadcast_in_dim3A_110 : vector<1024x1024xi1>, vector<1024x1024xi32>
      %reduce_min3A_111 = arith.constant dense<2147483647> : vector<1024xi32>
      %reduce_min3A_112 = vector.multi_reduction <minsi>, %select_n3A, %reduce_min3A_111 [1] : vector<1024x1024xi32> to vector<1024xi32>
      %broadcast_in_dim3A_113 = vector.shape_cast %reduce_min3A_112 : vector<1024xi32> to vector<1024x1xi32>
      %eq3A_114 = vector.broadcast %broadcast_in_dim3A_113 : vector<1024x1xi32> to vector<1024x1024xi32>
      %eq3A_115 = arith.cmpi eq, %iota3A, %eq3A_114 : vector<1024x1024xi32>
      %jit3A_116 = arith.constant 0x7F800000 : f32
      %broadcast_in_dim3A_117 = vector.broadcast %jit3A_116 : f32 to vector<1024x1024xf32>
      %select_n3A_118 = arith.select %eq3A_115, %broadcast_in_dim3A_117, %get3A_96 : vector<1024x1024xi1>, vector<1024x1024xf32>
      %mul3A_119 = arith.constant 5 : i32
      %mul3A_120 = arith.muli %scan3A_93, %mul3A_119 : i32
      %add3A_121 = arith.constant 0 : i32
      %add3A_122 = arith.addi %mul3A_120, %add3A_121 : i32
      %eq3A_123 = vector.broadcast %add3A_122 : i32 to vector<1024x35xi32>
      %eq3A_124 = arith.cmpi eq, %iota3A_42, %eq3A_123 : vector<1024x35xi32>
      %broadcast_in_dim3A_125 = vector.shape_cast %broadcast_in_dim3A_113 : vector<1024x1xi32> to vector<1024x1xi32>
      %broadcast_in_dim3A_126 = vector.broadcast %broadcast_in_dim3A_125 : vector<1024x1xi32> to vector<1024x35xi32>
      %select_n3A_127 = arith.select %eq3A_124, %broadcast_in_dim3A_126, %get3A_101 : vector<1024x35xi1>, vector<1024x35xi32>
      %broadcast_in_dim3A_128 = vector.shape_cast %broadcast_in_dim3A_108 : vector<1024x1xf32> to vector<1024x1xf32>
      %broadcast_in_dim3A_129 = vector.broadcast %broadcast_in_dim3A_128 : vector<1024x1xf32> to vector<1024x35xf32>
      %select_n3A_130 = arith.select %eq3A_124, %broadcast_in_dim3A_129, %get3A_106 : vector<1024x35xi1>, vector<1024x35xf32>
      %reduce_min3A_131 = arith.constant dense<0x7F800000> : vector<1024xf32>
      %reduce_min3A_132 = vector.multi_reduction <minimumf>, %select_n3A_118, %reduce_min3A_131 [1] : vector<1024x1024xf32> to vector<1024xf32>
      %broadcast_in_dim3A_133 = vector.shape_cast %reduce_min3A_132 : vector<1024xf32> to vector<1024x1xf32>
      %eq3A_134 = vector.broadcast %broadcast_in_dim3A_133 : vector<1024x1xf32> to vector<1024x1024xf32>
      %eq3A_135 = arith.cmpf oeq, %select_n3A_118, %eq3A_134 : vector<1024x1024xf32>
      %jit3A_136 = arith.constant 1024 : i32
      %broadcast_in_dim3A_137 = vector.broadcast %jit3A_136 : i32 to vector<1024x1024xi32>
      %select_n3A_138 = arith.select %eq3A_135, %iota3A, %broadcast_in_dim3A_137 : vector<1024x1024xi1>, vector<1024x1024xi32>
      %reduce_min3A_139 = arith.constant dense<2147483647> : vector<1024xi32>
      %reduce_min3A_140 = vector.multi_reduction <minsi>, %select_n3A_138, %reduce_min3A_139 [1] : vector<1024x1024xi32> to vector<1024xi32>
      %broadcast_in_dim3A_141 = vector.shape_cast %reduce_min3A_140 : vector<1024xi32> to vector<1024x1xi32>
      %eq3A_142 = vector.broadcast %broadcast_in_dim3A_141 : vector<1024x1xi32> to vector<1024x1024xi32>
      %eq3A_143 = arith.cmpi eq, %iota3A, %eq3A_142 : vector<1024x1024xi32>
      %jit3A_144 = arith.constant 0x7F800000 : f32
      %broadcast_in_dim3A_145 = vector.broadcast %jit3A_144 : f32 to vector<1024x1024xf32>
      %select_n3A_146 = arith.select %eq3A_143, %broadcast_in_dim3A_145, %select_n3A_118 : vector<1024x1024xi1>, vector<1024x1024xf32>
      %mul3A_147 = arith.constant 5 : i32
      %mul3A_148 = arith.muli %scan3A_93, %mul3A_147 : i32
      %add3A_149 = arith.constant 1 : i32
      %add3A_150 = arith.addi %mul3A_148, %add3A_149 : i32
      %eq3A_151 = vector.broadcast %add3A_150 : i32 to vector<1024x35xi32>
      %eq3A_152 = arith.cmpi eq, %iota3A_42, %eq3A_151 : vector<1024x35xi32>
      %broadcast_in_dim3A_153 = vector.shape_cast %broadcast_in_dim3A_141 : vector<1024x1xi32> to vector<1024x1xi32>
      %broadcast_in_dim3A_154 = vector.broadcast %broadcast_in_dim3A_153 : vector<1024x1xi32> to vector<1024x35xi32>
      %select_n3A_155 = arith.select %eq3A_152, %broadcast_in_dim3A_154, %select_n3A_127 : vector<1024x35xi1>, vector<1024x35xi32>
      %broadcast_in_dim3A_156 = vector.shape_cast %broadcast_in_dim3A_133 : vector<1024x1xf32> to vector<1024x1xf32>
      %broadcast_in_dim3A_157 = vector.broadcast %broadcast_in_dim3A_156 : vector<1024x1xf32> to vector<1024x35xf32>
      %select_n3A_158 = arith.select %eq3A_152, %broadcast_in_dim3A_157, %select_n3A_130 : vector<1024x35xi1>, vector<1024x35xf32>
      %reduce_min3A_159 = arith.constant dense<0x7F800000> : vector<1024xf32>
      %reduce_min3A_160 = vector.multi_reduction <minimumf>, %select_n3A_146, %reduce_min3A_159 [1] : vector<1024x1024xf32> to vector<1024xf32>
      %broadcast_in_dim3A_161 = vector.shape_cast %reduce_min3A_160 : vector<1024xf32> to vector<1024x1xf32>
      %eq3A_162 = vector.broadcast %broadcast_in_dim3A_161 : vector<1024x1xf32> to vector<1024x1024xf32>
      %eq3A_163 = arith.cmpf oeq, %select_n3A_146, %eq3A_162 : vector<1024x1024xf32>
      %jit3A_164 = arith.constant 1024 : i32
      %broadcast_in_dim3A_165 = vector.broadcast %jit3A_164 : i32 to vector<1024x1024xi32>
      %select_n3A_166 = arith.select %eq3A_163, %iota3A, %broadcast_in_dim3A_165 : vector<1024x1024xi1>, vector<1024x1024xi32>
      %reduce_min3A_167 = arith.constant dense<2147483647> : vector<1024xi32>
      %reduce_min3A_168 = vector.multi_reduction <minsi>, %select_n3A_166, %reduce_min3A_167 [1] : vector<1024x1024xi32> to vector<1024xi32>
      %broadcast_in_dim3A_169 = vector.shape_cast %reduce_min3A_168 : vector<1024xi32> to vector<1024x1xi32>
      %eq3A_170 = vector.broadcast %broadcast_in_dim3A_169 : vector<1024x1xi32> to vector<1024x1024xi32>
      %eq3A_171 = arith.cmpi eq, %iota3A, %eq3A_170 : vector<1024x1024xi32>
      %jit3A_172 = arith.constant 0x7F800000 : f32
      %broadcast_in_dim3A_173 = vector.broadcast %jit3A_172 : f32 to vector<1024x1024xf32>
      %select_n3A_174 = arith.select %eq3A_171, %broadcast_in_dim3A_173, %select_n3A_146 : vector<1024x1024xi1>, vector<1024x1024xf32>
      %mul3A_175 = arith.constant 5 : i32
      %mul3A_176 = arith.muli %scan3A_93, %mul3A_175 : i32
      %add3A_177 = arith.constant 2 : i32
      %add3A_178 = arith.addi %mul3A_176, %add3A_177 : i32
      %eq3A_179 = vector.broadcast %add3A_178 : i32 to vector<1024x35xi32>
      %eq3A_180 = arith.cmpi eq, %iota3A_42, %eq3A_179 : vector<1024x35xi32>
      %broadcast_in_dim3A_181 = vector.shape_cast %broadcast_in_dim3A_169 : vector<1024x1xi32> to vector<1024x1xi32>
      %broadcast_in_dim3A_182 = vector.broadcast %broadcast_in_dim3A_181 : vector<1024x1xi32> to vector<1024x35xi32>
      %select_n3A_183 = arith.select %eq3A_180, %broadcast_in_dim3A_182, %select_n3A_155 : vector<1024x35xi1>, vector<1024x35xi32>
      %broadcast_in_dim3A_184 = vector.shape_cast %broadcast_in_dim3A_161 : vector<1024x1xf32> to vector<1024x1xf32>
      %broadcast_in_dim3A_185 = vector.broadcast %broadcast_in_dim3A_184 : vector<1024x1xf32> to vector<1024x35xf32>
      %select_n3A_186 = arith.select %eq3A_180, %broadcast_in_dim3A_185, %select_n3A_158 : vector<1024x35xi1>, vector<1024x35xf32>
      %reduce_min3A_187 = arith.constant dense<0x7F800000> : vector<1024xf32>
      %reduce_min3A_188 = vector.multi_reduction <minimumf>, %select_n3A_174, %reduce_min3A_187 [1] : vector<1024x1024xf32> to vector<1024xf32>
      %broadcast_in_dim3A_189 = vector.shape_cast %reduce_min3A_188 : vector<1024xf32> to vector<1024x1xf32>
      %eq3A_190 = vector.broadcast %broadcast_in_dim3A_189 : vector<1024x1xf32> to vector<1024x1024xf32>
      %eq3A_191 = arith.cmpf oeq, %select_n3A_174, %eq3A_190 : vector<1024x1024xf32>
      %jit3A_192 = arith.constant 1024 : i32
      %broadcast_in_dim3A_193 = vector.broadcast %jit3A_192 : i32 to vector<1024x1024xi32>
      %select_n3A_194 = arith.select %eq3A_191, %iota3A, %broadcast_in_dim3A_193 : vector<1024x1024xi1>, vector<1024x1024xi32>
      %reduce_min3A_195 = arith.constant dense<2147483647> : vector<1024xi32>
      %reduce_min3A_196 = vector.multi_reduction <minsi>, %select_n3A_194, %reduce_min3A_195 [1] : vector<1024x1024xi32> to vector<1024xi32>
      %broadcast_in_dim3A_197 = vector.shape_cast %reduce_min3A_196 : vector<1024xi32> to vector<1024x1xi32>
      %eq3A_198 = vector.broadcast %broadcast_in_dim3A_197 : vector<1024x1xi32> to vector<1024x1024xi32>
      %eq3A_199 = arith.cmpi eq, %iota3A, %eq3A_198 : vector<1024x1024xi32>
      %jit3A_200 = arith.constant 0x7F800000 : f32
      %broadcast_in_dim3A_201 = vector.broadcast %jit3A_200 : f32 to vector<1024x1024xf32>
      %select_n3A_202 = arith.select %eq3A_199, %broadcast_in_dim3A_201, %select_n3A_174 : vector<1024x1024xi1>, vector<1024x1024xf32>
      %mul3A_203 = arith.constant 5 : i32
      %mul3A_204 = arith.muli %scan3A_93, %mul3A_203 : i32
      %add3A_205 = arith.constant 3 : i32
      %add3A_206 = arith.addi %mul3A_204, %add3A_205 : i32
      %eq3A_207 = vector.broadcast %add3A_206 : i32 to vector<1024x35xi32>
      %eq3A_208 = arith.cmpi eq, %iota3A_42, %eq3A_207 : vector<1024x35xi32>
      %broadcast_in_dim3A_209 = vector.shape_cast %broadcast_in_dim3A_197 : vector<1024x1xi32> to vector<1024x1xi32>
      %broadcast_in_dim3A_210 = vector.broadcast %broadcast_in_dim3A_209 : vector<1024x1xi32> to vector<1024x35xi32>
      %select_n3A_211 = arith.select %eq3A_208, %broadcast_in_dim3A_210, %select_n3A_183 : vector<1024x35xi1>, vector<1024x35xi32>
      %broadcast_in_dim3A_212 = vector.shape_cast %broadcast_in_dim3A_189 : vector<1024x1xf32> to vector<1024x1xf32>
      %broadcast_in_dim3A_213 = vector.broadcast %broadcast_in_dim3A_212 : vector<1024x1xf32> to vector<1024x35xf32>
      %select_n3A_214 = arith.select %eq3A_208, %broadcast_in_dim3A_213, %select_n3A_186 : vector<1024x35xi1>, vector<1024x35xf32>
      %reduce_min3A_215 = arith.constant dense<0x7F800000> : vector<1024xf32>
      %reduce_min3A_216 = vector.multi_reduction <minimumf>, %select_n3A_202, %reduce_min3A_215 [1] : vector<1024x1024xf32> to vector<1024xf32>
      %broadcast_in_dim3A_217 = vector.shape_cast %reduce_min3A_216 : vector<1024xf32> to vector<1024x1xf32>
      %eq3A_218 = vector.broadcast %broadcast_in_dim3A_217 : vector<1024x1xf32> to vector<1024x1024xf32>
      %eq3A_219 = arith.cmpf oeq, %select_n3A_202, %eq3A_218 : vector<1024x1024xf32>
      %jit3A_220 = arith.constant 1024 : i32
      %broadcast_in_dim3A_221 = vector.broadcast %jit3A_220 : i32 to vector<1024x1024xi32>
      %select_n3A_222 = arith.select %eq3A_219, %iota3A, %broadcast_in_dim3A_221 : vector<1024x1024xi1>, vector<1024x1024xi32>
      %reduce_min3A_223 = arith.constant dense<2147483647> : vector<1024xi32>
      %reduce_min3A_224 = vector.multi_reduction <minsi>, %select_n3A_222, %reduce_min3A_223 [1] : vector<1024x1024xi32> to vector<1024xi32>
      %broadcast_in_dim3A_225 = vector.shape_cast %reduce_min3A_224 : vector<1024xi32> to vector<1024x1xi32>
      %eq3A_226 = vector.broadcast %broadcast_in_dim3A_225 : vector<1024x1xi32> to vector<1024x1024xi32>
      %eq3A_227 = arith.cmpi eq, %iota3A, %eq3A_226 : vector<1024x1024xi32>
      %jit3A_228 = arith.constant 0x7F800000 : f32
      %broadcast_in_dim3A_229 = vector.broadcast %jit3A_228 : f32 to vector<1024x1024xf32>
      %select_n3A_230 = arith.select %eq3A_227, %broadcast_in_dim3A_229, %select_n3A_202 : vector<1024x1024xi1>, vector<1024x1024xf32>
      %mul3A_231 = arith.constant 5 : i32
      %mul3A_232 = arith.muli %scan3A_93, %mul3A_231 : i32
      %add3A_233 = arith.constant 4 : i32
      %add3A_234 = arith.addi %mul3A_232, %add3A_233 : i32
      %eq3A_235 = vector.broadcast %add3A_234 : i32 to vector<1024x35xi32>
      %eq3A_236 = arith.cmpi eq, %iota3A_42, %eq3A_235 : vector<1024x35xi32>
      %broadcast_in_dim3A_237 = vector.shape_cast %broadcast_in_dim3A_225 : vector<1024x1xi32> to vector<1024x1xi32>
      %broadcast_in_dim3A_238 = vector.broadcast %broadcast_in_dim3A_237 : vector<1024x1xi32> to vector<1024x35xi32>
      %select_n3A_239 = arith.select %eq3A_236, %broadcast_in_dim3A_238, %select_n3A_211 : vector<1024x35xi1>, vector<1024x35xi32>
      %broadcast_in_dim3A_240 = vector.shape_cast %broadcast_in_dim3A_217 : vector<1024x1xf32> to vector<1024x1xf32>
      %broadcast_in_dim3A_241 = vector.broadcast %broadcast_in_dim3A_240 : vector<1024x1xf32> to vector<1024x35xf32>
      %select_n3A_242 = arith.select %eq3A_236, %broadcast_in_dim3A_241, %select_n3A_214 : vector<1024x35xi1>, vector<1024x35xf32>
      %swap3A_243 = arith.constant 0 : index
      %swap3A_244 = arith.constant 0 : index
      %swap3A_245 = vector.load %arg9[%swap3A_243, %swap3A_244] : memref<1024x1024xf32, #tpu.memory_space<vmem>>, vector<1024x1024xf32>
      tpu.vector_store %arg9[%swap3A_243, %swap3A_244], %select_n3A_230 {strides = array<i32>} : memref<1024x1024xf32, #tpu.memory_space<vmem>>, vector<1024x1024xf32>,
      %swap3A_246 = arith.constant 0 : index
      %swap3A_247 = arith.constant 0 : index
      %swap3A_248 = arith.constant 0 : index
      %swap3A_249 = vector.load %arg3[%swap3A_246, %swap3A_247, %swap3A_248] : memref<1x1024x35xi32, #tpu.memory_space<vmem>>, vector<1x1024x35xi32>
      %swap3A_250 = vector.shape_cast %swap3A_249 : vector<1x1024x35xi32> to vector<1024x35xi32>
      %swap3A_251 = vector.shape_cast %select_n3A_239 : vector<1024x35xi32> to vector<1x1024x35xi32>
      tpu.vector_store %arg3[%swap3A_246, %swap3A_247, %swap3A_248], %swap3A_251 {strides = array<i32>} : memref<1x1024x35xi32, #tpu.memory_space<vmem>>, vector<1x1024x35xi32>,
      %swap3A_252 = arith.constant 0 : index
      %swap3A_253 = arith.constant 0 : index
      %swap3A_254 = arith.constant 0 : index
      %swap3A_255 = vector.load %arg4[%swap3A_252, %swap3A_253, %swap3A_254] : memref<1x1024x35xf32, #tpu.memory_space<vmem>>, vector<1x1024x35xf32>
      %swap3A_256 = vector.shape_cast %swap3A_255 : vector<1x1024x35xf32> to vector<1024x35xf32>
      %swap3A_257 = vector.shape_cast %select_n3A_242 : vector<1024x35xf32> to vector<1x1024x35xf32>
      tpu.vector_store %arg4[%swap3A_252, %swap3A_253, %swap3A_254], %swap3A_257 {strides = array<i32>} : memref<1x1024x35xf32, #tpu.memory_space<vmem>>, vector<1x1024x35xf32>,
    }
    %scan3A_46 = arith.constant 7 : i32
    %mul3A_47 = arith.constant 1024 : i32
    %mul3A_48 = arith.muli %arg0, %mul3A_47 : i32
    %get3A_49 = arith.constant 0 : index
    %get3A_50 = arith.constant 0 : index
    %get3A_51 = arith.constant 0 : index
    %get3A_52 = vector.load %arg3[%get3A_49, %get3A_50, %get3A_51] : memref<1x1024x35xi32, #tpu.memory_space<vmem>>, vector<1x1024x35xi32>
    %get3A_53 = vector.shape_cast %get3A_52 : vector<1x1024x35xi32> to vector<1024x35xi32>
    %add3A_54 = vector.broadcast %mul3A_48 : i32 to vector<1024x35xi32>
    %add3A_55 = arith.addi %get3A_53, %add3A_54 : vector<1024x35xi32>
    %swap3A_56 = arith.constant 0 : index
    %swap3A_57 = arith.constant 0 : index
    %swap3A_58 = arith.constant 0 : index
    %swap3A_59 = vector.load %arg5[%swap3A_56, %swap3A_57, %swap3A_58] : memref<1x1024x35xi32, #tpu.memory_space<vmem>>, vector<1x1024x35xi32>
    %swap3A_60 = vector.shape_cast %swap3A_59 : vector<1x1024x35xi32> to vector<1024x35xi32>
    %swap3A_61 = vector.shape_cast %add3A_55 : vector<1024x35xi32> to vector<1x1024x35xi32>
    tpu.vector_store %arg5[%swap3A_56, %swap3A_57, %swap3A_58], %swap3A_61 {strides = array<i32>} : memref<1x1024x35xi32, #tpu.memory_space<vmem>>, vector<1x1024x35xi32>,
    %slice3A = vector.extract_strided_slice %get3A_53 {offsets = [0, 0], sizes = [1024, 1], strides = [1, 1]} : vector<1024x35xi32> to vector<1024x1xi32>
    %add3A_62 = vector.broadcast %mul3A_48 : i32 to vector<1024x1xi32>
    %add3A_63 = arith.addi %slice3A, %add3A_62 : vector<1024x1xi32>
    %broadcast_in_dim3A = vector.shape_cast %add3A_63 : vector<1024x1xi32> to vector<1024x1xi32>
    %broadcast_in_dim3A_64 = vector.broadcast %broadcast_in_dim3A : vector<1024x1xi32> to vector<1024x35xi32>
    %swap3A_65 = arith.constant 0 : index
    %swap3A_66 = arith.constant 0 : index
    %swap3A_67 = arith.constant 0 : index
    %swap3A_68 = vector.load %arg6[%swap3A_65, %swap3A_66, %swap3A_67] : memref<1x1024x35xi32, #tpu.memory_space<vmem>>, vector<1x1024x35xi32>
    %swap3A_69 = vector.shape_cast %swap3A_68 : vector<1x1024x35xi32> to vector<1024x35xi32>
    %swap3A_70 = vector.shape_cast %broadcast_in_dim3A_64 : vector<1024x35xi32> to vector<1x1024x35xi32>
    tpu.vector_store %arg6[%swap3A_65, %swap3A_66, %swap3A_67], %swap3A_70 {strides = array<i32>} : memref<1x1024x35xi32, #tpu.memory_space<vmem>>, vector<1x1024x35xi32>,
    %slice3A_71 = vector.extract_strided_slice %get3A_53 {offsets = [0, 1], sizes = [1024, 1], strides = [1, 1]} : vector<1024x35xi32> to vector<1024x1xi32>
    %add3A_72 = vector.broadcast %mul3A_48 : i32 to vector<1024x1xi32>
    %add3A_73 = arith.addi %slice3A_71, %add3A_72 : vector<1024x1xi32>
    %broadcast_in_dim3A_74 = vector.shape_cast %add3A_73 : vector<1024x1xi32> to vector<1024x1xi32>
    %broadcast_in_dim3A_75 = vector.broadcast %broadcast_in_dim3A_74 : vector<1024x1xi32> to vector<1024x35xi32>
    %swap3A_76 = arith.constant 0 : index
    %swap3A_77 = arith.constant 0 : index
    %swap3A_78 = arith.constant 0 : index
    %swap3A_79 = vector.load %arg7[%swap3A_76, %swap3A_77, %swap3A_78] : memref<1x1024x35xi32, #tpu.memory_space<vmem>>, vector<1x1024x35xi32>
    %swap3A_80 = vector.shape_cast %swap3A_79 : vector<1x1024x35xi32> to vector<1024x35xi32>
    %swap3A_81 = vector.shape_cast %broadcast_in_dim3A_75 : vector<1024x35xi32> to vector<1x1024x35xi32>
    tpu.vector_store %arg7[%swap3A_76, %swap3A_77, %swap3A_78], %swap3A_81 {strides = array<i32>} : memref<1x1024x35xi32, #tpu.memory_space<vmem>>, vector<1x1024x35xi32>,
    %slice3A_82 = vector.extract_strided_slice %get3A_53 {offsets = [0, 2], sizes = [1024, 1], strides = [1, 1]} : vector<1024x35xi32> to vector<1024x1xi32>
    %add3A_83 = vector.broadcast %mul3A_48 : i32 to vector<1024x1xi32>
    %add3A_84 = arith.addi %slice3A_82, %add3A_83 : vector<1024x1xi32>
    %broadcast_in_dim3A_85 = vector.shape_cast %add3A_84 : vector<1024x1xi32> to vector<1024x1xi32>
    %broadcast_in_dim3A_86 = vector.broadcast %broadcast_in_dim3A_85 : vector<1024x1xi32> to vector<1024x35xi32>
    %swap3A_87 = arith.constant 0 : index
    %swap3A_88 = arith.constant 0 : index
    %swap3A_89 = arith.constant 0 : index
    %swap3A_90 = vector.load %arg8[%swap3A_87, %swap3A_88, %swap3A_89] : memref<1x1024x35xi32, #tpu.memory_space<vmem>>, vector<1x1024x35xi32>
    %swap3A_91 = vector.shape_cast %swap3A_90 : vector<1x1024x35xi32> to vector<1024x35xi32>
    %swap3A_92 = vector.shape_cast %broadcast_in_dim3A_86 : vector<1024x35xi32> to vector<1x1024x35xi32>
    tpu.vector_store %arg8[%swap3A_87, %swap3A_88, %swap3A_89], %swap3A_92 {strides = array<i32>} : memref<1x1024x35xi32, #tpu.memory_space<vmem>>, vector<1x1024x35xi32>,
    return
  }
  func.func @transform_0(%arg0: i32) -> (i32, i32, i32) {
    %c0_i32 = arith.constant 0 : i32
    %c0_i32_0 = arith.constant 0 : i32
    %c0_i32_1 = arith.constant 0 : i32
    return %arg0, %c0_i32, %c0_i32_0 : i32, i32, i32
  }
  func.func @transform_1(%arg0: i32) -> (i32, i32, i32) {
    %c0_i32 = arith.constant 0 : i32
    %c0_i32_0 = arith.constant 0 : i32
    %c0_i32_1 = arith.constant 0 : i32
    return %arg0, %c0_i32, %c0_i32_0 : i32, i32, i32
  }
  func.func @transform_2(%arg0: i32) -> (i32, i32, i32) {
    %c0_i32 = arith.constant 0 : i32
    %c0_i32_0 = arith.constant 0 : i32
    %c0_i32_1 = arith.constant 0 : i32
    return %arg0, %c0_i32, %c0_i32_0 : i32, i32, i32
  }
  func.func @transform_3(%arg0: i32) -> (i32, i32, i32) {
    %c0_i32 = arith.constant 0 : i32
    %c0_i32_0 = arith.constant 0 : i32
    %c0_i32_1 = arith.constant 0 : i32
    return %arg0, %c0_i32, %c0_i32_0 : i32, i32, i32
  }
  func.func @transform_4(%arg0: i32) -> (i32, i32, i32) {
    %c0_i32 = arith.constant 0 : i32
    %c0_i32_0 = arith.constant 0 : i32
    %c0_i32_1 = arith.constant 0 : i32
    return %arg0, %c0_i32, %c0_i32_0 : i32, i32, i32
  }
  func.func @transform_5(%arg0: i32) -> (i32, i32, i32) {
    %c0_i32 = arith.constant 0 : i32
    %c0_i32_0 = arith.constant 0 : i32
    %c0_i32_1 = arith.constant 0 : i32
    return %arg0, %c0_i32, %c0_i32_0 : i32, i32, i32
  }
  func.func @transform_6(%arg0: i32) -> (i32, i32, i32) {
    %c0_i32 = arith.constant 0 : i32
    %c0_i32_0 = arith.constant 0 : i32
    %c0_i32_1 = arith.constant 0 : i32
    return %arg0, %c0_i32, %c0_i32_0 : i32, i32, i32
  }
  func.func @transform_7(%arg0: i32) -> (i32, i32, i32) {
    %c0_i32 = arith.constant 0 : i32
    %c0_i32_0 = arith.constant 0 : i32
    %c0_i32_1 = arith.constant 0 : i32
    return %arg0, %c0_i32, %c0_i32_0 : i32, i32, i32
  }
}

module attributes {stable_mosaic.version = 14 : i64} {
  func.func @_embed_body(%arg0: i32, %arg1: memref<1024x16xf32, #tpu.memory_space<vmem>>, %arg2: memref<1024x16xf32, #tpu.memory_space<vmem>>, %arg3: memref<1024x16xf32, #tpu.memory_space<vmem>>, %arg4: memref<1024x16xf32, #tpu.memory_space<vmem>>, %arg5: memref<1024x16xf32, #tpu.memory_space<vmem>>, %arg6: memref<1024x1xf32, #tpu.memory_space<vmem>>, %arg7: memref<256x256xbf16, #tpu.memory_space<vmem>>, %arg8: memref<256x256xbf16, #tpu.memory_space<vmem>>, %arg9: memref<1x256xf32, #tpu.memory_space<vmem>>, %arg10: memref<1x256xf32, #tpu.memory_space<vmem>>, %arg11: memref<1024x256xf32, #tpu.memory_space<vmem>>) attributes {dimension_semantics = [#tpu.dimension_semantics<arbitrary>], iteration_bounds = array<i64: 70>, scalar_prefetch = 0 : i64, scratch_operands = 0 : i64, tpu.core_type = #tpu.core_type<tc>, window_params = [{transform_indices = @transform_0, window_bounds = array<i64: 1024, 16>}, {transform_indices = @transform_1, window_bounds = array<i64: 1024, 16>}, {transform_indices = @transform_2, window_bounds = array<i64: 1024, 16>}, {transform_indices = @transform_3, window_bounds = array<i64: 1024, 16>}, {transform_indices = @transform_4, window_bounds = array<i64: 1024, 16>}, {transform_indices = @transform_5, window_bounds = array<i64: 1024, 1>}, {pipeline_mode = #tpu.pipeline_mode<synchronous>, transform_indices = @transform_6, window_bounds = array<i64: 256, 256>}, {pipeline_mode = #tpu.pipeline_mode<synchronous>, transform_indices = @transform_7, window_bounds = array<i64: 256, 256>}, {pipeline_mode = #tpu.pipeline_mode<synchronous>, transform_indices = @transform_8, window_bounds = array<i64: 1, 256>}, {pipeline_mode = #tpu.pipeline_mode<synchronous>, transform_indices = @transform_9, window_bounds = array<i64: 1, 256>}, {transform_indices = @transform_10, window_bounds = array<i64: 1024, 256>}]} {
    %get3A = arith.constant 0 : index
    %get3A_0 = arith.constant 0 : index
    %get3A_1 = vector.load %arg1[%get3A, %get3A_0] : memref<1024x16xf32, #tpu.memory_space<vmem>>, vector<1024x1xf32>
    %get3A_2 = arith.constant 0 : index
    %get3A_3 = arith.constant 0 : index
    %get3A_4 = vector.load %arg2[%get3A_2, %get3A_3] : memref<1024x16xf32, #tpu.memory_space<vmem>>, vector<1024x1xf32>
    %sub3A = arith.subf %get3A_1, %get3A_4 : vector<1024x1xf32>
    %get3A_5 = arith.constant 0 : index
    %get3A_6 = arith.constant 1 : index
    %get3A_7 = vector.load %arg1[%get3A_5, %get3A_6] : memref<1024x16xf32, #tpu.memory_space<vmem>>, vector<1024x1xf32>
    %get3A_8 = arith.constant 0 : index
    %get3A_9 = arith.constant 1 : index
    %get3A_10 = vector.load %arg2[%get3A_8, %get3A_9] : memref<1024x16xf32, #tpu.memory_space<vmem>>, vector<1024x1xf32>
    %sub3A_11 = arith.subf %get3A_7, %get3A_10 : vector<1024x1xf32>
    %get3A_12 = arith.constant 0 : index
    %get3A_13 = arith.constant 2 : index
    %get3A_14 = vector.load %arg1[%get3A_12, %get3A_13] : memref<1024x16xf32, #tpu.memory_space<vmem>>, vector<1024x1xf32>
    %get3A_15 = arith.constant 0 : index
    %get3A_16 = arith.constant 2 : index
    %get3A_17 = vector.load %arg2[%get3A_15, %get3A_16] : memref<1024x16xf32, #tpu.memory_space<vmem>>, vector<1024x1xf32>
    %sub3A_18 = arith.subf %get3A_14, %get3A_17 : vector<1024x1xf32>
    %iota3A = tpu.iota {dimensions = array<i32: 1>} : vector<1x128xi32>
    %convert_element_type3A = arith.sitofp %iota3A : vector<1x128xi32> to vector<1x128xf32>
    %mul3A = arith.constant -0.0719557852 : f32
    %mul3A_19 = vector.broadcast %mul3A : f32 to vector<1x128xf32>
    %mul3A_20 = arith.mulf %convert_element_type3A, %mul3A_19 : vector<1x128xf32>
    %exp3A = math.exp %mul3A_20 : vector<1x128xf32>
    %get3A_21 = arith.constant 0 : index
    %get3A_22 = arith.constant 0 : index
    %get3A_23 = vector.load %arg6[%get3A_21, %get3A_22] : memref<1024x1xf32, #tpu.memory_space<vmem>>, vector<1024x1xf32>
    %max3A = arith.constant 9.99999993E-9 : f32
    %max3A_24 = vector.broadcast %max3A : f32 to vector<1024x1xf32>
    %max3A_25 = arith.maximumf %get3A_23, %max3A_24 : vector<1024x1xf32>
    %sqrt3A = math.sqrt %max3A_25 : vector<1024x1xf32>
    %mul3A_26 = arith.constant 5.000000e+00 : f32
    %mul3A_27 = vector.broadcast %mul3A_26 : f32 to vector<1024x1xf32>
    %mul3A_28 = arith.mulf %sqrt3A, %mul3A_27 : vector<1024x1xf32>
    %mul3A_29 = vector.broadcast %mul3A_28 : vector<1024x1xf32> to vector<1024x128xf32>
    %mul3A_30 = vector.broadcast %exp3A : vector<1x128xf32> to vector<1024x128xf32>
    %mul3A_31 = arith.mulf %mul3A_29, %mul3A_30 : vector<1024x128xf32>
    %mul3A_32 = arith.constant 0.159154937 : f32
    %mul3A_33 = vector.broadcast %mul3A_32 : f32 to vector<1024x128xf32>
    %mul3A_34 = arith.mulf %mul3A_31, %mul3A_33 : vector<1024x128xf32>
    %round3A = math.roundeven %mul3A_34 : vector<1024x128xf32>
    %sub3A_35 = arith.subf %mul3A_34, %round3A : vector<1024x128xf32>
    %mul3A_36 = arith.mulf %sub3A_35, %sub3A_35 : vector<1024x128xf32>
    %mul3A_37 = arith.constant 33.1680946 : f32
    %mul3A_38 = vector.broadcast %mul3A_37 : f32 to vector<1024x128xf32>
    %mul3A_39 = arith.mulf %mul3A_38, %mul3A_36 : vector<1024x128xf32>
    %add3A = arith.constant -74.6758804 : f32
    %add3A_40 = vector.broadcast %add3A : f32 to vector<1024x128xf32>
    %add3A_41 = arith.addf %mul3A_39, %add3A_40 : vector<1024x128xf32>
    %mul3A_42 = arith.mulf %add3A_41, %mul3A_36 : vector<1024x128xf32>
    %add3A_43 = arith.constant 81.4000931 : f32
    %add3A_44 = vector.broadcast %add3A_43 : f32 to vector<1024x128xf32>
    %add3A_45 = arith.addf %mul3A_42, %add3A_44 : vector<1024x128xf32>
    %mul3A_46 = arith.mulf %add3A_45, %mul3A_36 : vector<1024x128xf32>
    %add3A_47 = arith.constant -41.3332481 : f32
    %add3A_48 = vector.broadcast %add3A_47 : f32 to vector<1024x128xf32>
    %add3A_49 = arith.addf %mul3A_46, %add3A_48 : vector<1024x128xf32>
    %mul3A_50 = arith.mulf %add3A_49, %mul3A_36 : vector<1024x128xf32>
    %add3A_51 = arith.constant 6.28308868 : f32
    %add3A_52 = vector.broadcast %add3A_51 : f32 to vector<1024x128xf32>
    %add3A_53 = arith.addf %mul3A_50, %add3A_52 : vector<1024x128xf32>
    %mul3A_54 = arith.mulf %add3A_53, %sub3A_35 : vector<1024x128xf32>
    %mul3A_55 = arith.constant -21.2827759 : f32
    %mul3A_56 = vector.broadcast %mul3A_55 : f32 to vector<1024x128xf32>
    %mul3A_57 = arith.mulf %mul3A_56, %mul3A_36 : vector<1024x128xf32>
    %add3A_58 = arith.constant 58.9124222 : f32
    %add3A_59 = vector.broadcast %add3A_58 : f32 to vector<1024x128xf32>
    %add3A_60 = arith.addf %mul3A_57, %add3A_59 : vector<1024x128xf32>
    %mul3A_61 = arith.mulf %add3A_60, %mul3A_36 : vector<1024x128xf32>
    %add3A_62 = arith.constant -85.2959442 : f32
    %add3A_63 = vector.broadcast %add3A_62 : f32 to vector<1024x128xf32>
    %add3A_64 = arith.addf %mul3A_61, %add3A_63 : vector<1024x128xf32>
    %mul3A_65 = arith.mulf %add3A_64, %mul3A_36 : vector<1024x128xf32>
    %add3A_66 = arith.constant 64.9306107 : f32
    %add3A_67 = vector.broadcast %add3A_66 : f32 to vector<1024x128xf32>
    %add3A_68 = arith.addf %mul3A_65, %add3A_67 : vector<1024x128xf32>
    %mul3A_69 = arith.mulf %add3A_68, %mul3A_36 : vector<1024x128xf32>
    %add3A_70 = arith.constant -19.7390347 : f32
    %add3A_71 = vector.broadcast %add3A_70 : f32 to vector<1024x128xf32>
    %add3A_72 = arith.addf %mul3A_69, %add3A_71 : vector<1024x128xf32>
    %mul3A_73 = arith.mulf %add3A_72, %mul3A_36 : vector<1024x128xf32>
    %add3A_74 = arith.constant 0.999999463 : f32
    %add3A_75 = vector.broadcast %add3A_74 : f32 to vector<1024x128xf32>
    %add3A_76 = arith.addf %mul3A_73, %add3A_75 : vector<1024x128xf32>
    %concatenate3A = tpu.concatenate %mul3A_54, %add3A_76 in 1 : vector<1024x128xf32>, vector<1024x128xf32> -> vector<1024x256xf32>
    %convert_element_type3A_77 = arith.truncf %concatenate3A : vector<1024x256xf32> to vector<1024x256xbf16>
    %get3A_78 = arith.constant 0 : index
    %get3A_79 = arith.constant 0 : index
    %get3A_80 = vector.load %arg7[%get3A_78, %get3A_79] : memref<256x256xbf16, #tpu.memory_space<vmem>>, vector<256x256xbf16>
    %dot_general3A = arith.constant dense<0.000000e+00> : vector<1024x256xf32>
    %dot_general3A_81 = tpu.matmul %convert_element_type3A_77, %get3A_80, %dot_general3A {dimension_numbers = #tpu.dot_dimension_numbers<[1], [0], [0], [1], [0, 0, 1, 1], [], []>, transpose_lhs_hint = false} : vector<1024x256xbf16>, vector<256x256xbf16>, vector<1024x256xf32> -> vector<1024x256xf32>
    %get3A_82 = arith.constant 0 : index
    %get3A_83 = arith.constant 0 : index
    %get3A_84 = vector.load %arg3[%get3A_82, %get3A_83] : memref<1024x16xf32, #tpu.memory_space<vmem>>, vector<1024x1xf32>
    %get3A_85 = arith.constant 0 : index
    %get3A_86 = arith.constant 0 : index
    %get3A_87 = vector.load %arg1[%get3A_85, %get3A_86] : memref<1024x16xf32, #tpu.memory_space<vmem>>, vector<1024x1xf32>
    %sub3A_88 = arith.subf %get3A_84, %get3A_87 : vector<1024x1xf32>
    %get3A_89 = arith.constant 0 : index
    %get3A_90 = arith.constant 1 : index
    %get3A_91 = vector.load %arg3[%get3A_89, %get3A_90] : memref<1024x16xf32, #tpu.memory_space<vmem>>, vector<1024x1xf32>
    %get3A_92 = arith.constant 0 : index
    %get3A_93 = arith.constant 1 : index
    %get3A_94 = vector.load %arg1[%get3A_92, %get3A_93] : memref<1024x16xf32, #tpu.memory_space<vmem>>, vector<1024x1xf32>
    %sub3A_95 = arith.subf %get3A_91, %get3A_94 : vector<1024x1xf32>
    %get3A_96 = arith.constant 0 : index
    %get3A_97 = arith.constant 2 : index
    %get3A_98 = vector.load %arg3[%get3A_96, %get3A_97] : memref<1024x16xf32, #tpu.memory_space<vmem>>, vector<1024x1xf32>
    %get3A_99 = arith.constant 0 : index
    %get3A_100 = arith.constant 2 : index
    %get3A_101 = vector.load %arg1[%get3A_99, %get3A_100] : memref<1024x16xf32, #tpu.memory_space<vmem>>, vector<1024x1xf32>
    %sub3A_102 = arith.subf %get3A_98, %get3A_101 : vector<1024x1xf32>
    %mul3A_103 = arith.mulf %sub3A_95, %sub3A_18 : vector<1024x1xf32>
    %mul3A_104 = arith.mulf %sub3A_102, %sub3A_11 : vector<1024x1xf32>
    %sub3A_105 = arith.subf %mul3A_103, %mul3A_104 : vector<1024x1xf32>
    %mul3A_106 = arith.mulf %sub3A_102, %sub3A : vector<1024x1xf32>
    %mul3A_107 = arith.mulf %sub3A_88, %sub3A_18 : vector<1024x1xf32>
    %sub3A_108 = arith.subf %mul3A_106, %mul3A_107 : vector<1024x1xf32>
    %mul3A_109 = arith.mulf %sub3A_88, %sub3A_11 : vector<1024x1xf32>
    %mul3A_110 = arith.mulf %sub3A_95, %sub3A : vector<1024x1xf32>
    %sub3A_111 = arith.subf %mul3A_109, %mul3A_110 : vector<1024x1xf32>
    %mul3A_112 = arith.mulf %sub3A_105, %sub3A_105 : vector<1024x1xf32>
    %mul3A_113 = arith.mulf %sub3A_108, %sub3A_108 : vector<1024x1xf32>
    %add3A_114 = arith.addf %mul3A_112, %mul3A_113 : vector<1024x1xf32>
    %mul3A_115 = arith.mulf %sub3A_111, %sub3A_111 : vector<1024x1xf32>
    %add3A_116 = arith.addf %add3A_114, %mul3A_115 : vector<1024x1xf32>
    %sqrt3A_117 = math.sqrt %add3A_116 : vector<1024x1xf32>
    %mul3A_118 = arith.mulf %sub3A_88, %sub3A : vector<1024x1xf32>
    %mul3A_119 = arith.mulf %sub3A_95, %sub3A_11 : vector<1024x1xf32>
    %add3A_120 = arith.addf %mul3A_118, %mul3A_119 : vector<1024x1xf32>
    %mul3A_121 = arith.mulf %sub3A_102, %sub3A_18 : vector<1024x1xf32>
    %add3A_122 = arith.addf %add3A_120, %mul3A_121 : vector<1024x1xf32>
    %eq3A = arith.constant 0.000000e+00 : f32
    %eq3A_123 = vector.broadcast %eq3A : f32 to vector<1024x1xf32>
    %eq3A_124 = arith.cmpf oeq, %add3A_122, %eq3A_123 : vector<1024x1xf32>
    %jit3A = arith.constant 0.000000e+00 : f32
    %broadcast_in_dim3A = vector.broadcast %jit3A : f32 to vector<1024x1xf32>
    %select_n3A = arith.select %eq3A_124, %broadcast_in_dim3A, %add3A_122 : vector<1024x1xi1>, vector<1024x1xf32>
    %atan23A = math.atan2 %sqrt3A_117, %select_n3A : vector<1024x1xf32>
    %mul3A_125 = arith.constant 3.8197186 : f32
    %mul3A_126 = vector.broadcast %mul3A_125 : f32 to vector<1024x1xf32>
    %mul3A_127 = arith.mulf %atan23A, %mul3A_126 : vector<1024x1xf32>
    %mul3A_128 = vector.broadcast %mul3A_127 : vector<1024x1xf32> to vector<1024x128xf32>
    %mul3A_129 = vector.broadcast %exp3A : vector<1x128xf32> to vector<1024x128xf32>
    %mul3A_130 = arith.mulf %mul3A_128, %mul3A_129 : vector<1024x128xf32>
    %mul3A_131 = arith.constant 0.159154937 : f32
    %mul3A_132 = vector.broadcast %mul3A_131 : f32 to vector<1024x128xf32>
    %mul3A_133 = arith.mulf %mul3A_130, %mul3A_132 : vector<1024x128xf32>
    %round3A_134 = math.roundeven %mul3A_133 : vector<1024x128xf32>
    %sub3A_135 = arith.subf %mul3A_133, %round3A_134 : vector<1024x128xf32>
    %mul3A_136 = arith.mulf %sub3A_135, %sub3A_135 : vector<1024x128xf32>
    %mul3A_137 = arith.constant 33.1680946 : f32
    %mul3A_138 = vector.broadcast %mul3A_137 : f32 to vector<1024x128xf32>
    %mul3A_139 = arith.mulf %mul3A_138, %mul3A_136 : vector<1024x128xf32>
    %add3A_140 = arith.constant -74.6758804 : f32
    %add3A_141 = vector.broadcast %add3A_140 : f32 to vector<1024x128xf32>
    %add3A_142 = arith.addf %mul3A_139, %add3A_141 : vector<1024x128xf32>
    %mul3A_143 = arith.mulf %add3A_142, %mul3A_136 : vector<1024x128xf32>
    %add3A_144 = arith.constant 81.4000931 : f32
    %add3A_145 = vector.broadcast %add3A_144 : f32 to vector<1024x128xf32>
    %add3A_146 = arith.addf %mul3A_143, %add3A_145 : vector<1024x128xf32>
    %mul3A_147 = arith.mulf %add3A_146, %mul3A_136 : vector<1024x128xf32>
    %add3A_148 = arith.constant -41.3332481 : f32
    %add3A_149 = vector.broadcast %add3A_148 : f32 to vector<1024x128xf32>
    %add3A_150 = arith.addf %mul3A_147, %add3A_149 : vector<1024x128xf32>
    %mul3A_151 = arith.mulf %add3A_150, %mul3A_136 : vector<1024x128xf32>
    %add3A_152 = arith.constant 6.28308868 : f32
    %add3A_153 = vector.broadcast %add3A_152 : f32 to vector<1024x128xf32>
    %add3A_154 = arith.addf %mul3A_151, %add3A_153 : vector<1024x128xf32>
    %mul3A_155 = arith.mulf %add3A_154, %sub3A_135 : vector<1024x128xf32>
    %mul3A_156 = arith.constant -21.2827759 : f32
    %mul3A_157 = vector.broadcast %mul3A_156 : f32 to vector<1024x128xf32>
    %mul3A_158 = arith.mulf %mul3A_157, %mul3A_136 : vector<1024x128xf32>
    %add3A_159 = arith.constant 58.9124222 : f32
    %add3A_160 = vector.broadcast %add3A_159 : f32 to vector<1024x128xf32>
    %add3A_161 = arith.addf %mul3A_158, %add3A_160 : vector<1024x128xf32>
    %mul3A_162 = arith.mulf %add3A_161, %mul3A_136 : vector<1024x128xf32>
    %add3A_163 = arith.constant -85.2959442 : f32
    %add3A_164 = vector.broadcast %add3A_163 : f32 to vector<1024x128xf32>
    %add3A_165 = arith.addf %mul3A_162, %add3A_164 : vector<1024x128xf32>
    %mul3A_166 = arith.mulf %add3A_165, %mul3A_136 : vector<1024x128xf32>
    %add3A_167 = arith.constant 64.9306107 : f32
    %add3A_168 = vector.broadcast %add3A_167 : f32 to vector<1024x128xf32>
    %add3A_169 = arith.addf %mul3A_166, %add3A_168 : vector<1024x128xf32>
    %mul3A_170 = arith.mulf %add3A_169, %mul3A_136 : vector<1024x128xf32>
    %add3A_171 = arith.constant -19.7390347 : f32
    %add3A_172 = vector.broadcast %add3A_171 : f32 to vector<1024x128xf32>
    %add3A_173 = arith.addf %mul3A_170, %add3A_172 : vector<1024x128xf32>
    %mul3A_174 = arith.mulf %add3A_173, %mul3A_136 : vector<1024x128xf32>
    %add3A_175 = arith.constant 0.999999463 : f32
    %add3A_176 = vector.broadcast %add3A_175 : f32 to vector<1024x128xf32>
    %add3A_177 = arith.addf %mul3A_174, %add3A_176 : vector<1024x128xf32>
    %concatenate3A_178 = tpu.concatenate %mul3A_155, %add3A_177 in 1 : vector<1024x128xf32>, vector<1024x128xf32> -> vector<1024x256xf32>
    %convert_element_type3A_179 = arith.truncf %concatenate3A_178 : vector<1024x256xf32> to vector<1024x256xbf16>
    %get3A_180 = arith.constant 0 : index
    %get3A_181 = arith.constant 0 : index
    %get3A_182 = vector.load %arg8[%get3A_180, %get3A_181] : memref<256x256xbf16, #tpu.memory_space<vmem>>, vector<256x256xbf16>
    %dot_general3A_183 = arith.constant dense<0.000000e+00> : vector<1024x256xf32>
    %dot_general3A_184 = tpu.matmul %convert_element_type3A_179, %get3A_182, %dot_general3A_183 {dimension_numbers = #tpu.dot_dimension_numbers<[1], [0], [0], [1], [0, 0, 1, 1], [], []>, transpose_lhs_hint = false} : vector<1024x256xbf16>, vector<256x256xbf16>, vector<1024x256xf32> -> vector<1024x256xf32>
    %get3A_185 = arith.constant 0 : index
    %get3A_186 = arith.constant 0 : index
    %get3A_187 = vector.load %arg4[%get3A_185, %get3A_186] : memref<1024x16xf32, #tpu.memory_space<vmem>>, vector<1024x1xf32>
    %get3A_188 = arith.constant 0 : index
    %get3A_189 = arith.constant 0 : index
    %get3A_190 = vector.load %arg1[%get3A_188, %get3A_189] : memref<1024x16xf32, #tpu.memory_space<vmem>>, vector<1024x1xf32>
    %sub3A_191 = arith.subf %get3A_187, %get3A_190 : vector<1024x1xf32>
    %get3A_192 = arith.constant 0 : index
    %get3A_193 = arith.constant 1 : index
    %get3A_194 = vector.load %arg4[%get3A_192, %get3A_193] : memref<1024x16xf32, #tpu.memory_space<vmem>>, vector<1024x1xf32>
    %get3A_195 = arith.constant 0 : index
    %get3A_196 = arith.constant 1 : index
    %get3A_197 = vector.load %arg1[%get3A_195, %get3A_196] : memref<1024x16xf32, #tpu.memory_space<vmem>>, vector<1024x1xf32>
    %sub3A_198 = arith.subf %get3A_194, %get3A_197 : vector<1024x1xf32>
    %get3A_199 = arith.constant 0 : index
    %get3A_200 = arith.constant 2 : index
    %get3A_201 = vector.load %arg4[%get3A_199, %get3A_200] : memref<1024x16xf32, #tpu.memory_space<vmem>>, vector<1024x1xf32>
    %get3A_202 = arith.constant 0 : index
    %get3A_203 = arith.constant 2 : index
    %get3A_204 = vector.load %arg1[%get3A_202, %get3A_203] : memref<1024x16xf32, #tpu.memory_space<vmem>>, vector<1024x1xf32>
    %sub3A_205 = arith.subf %get3A_201, %get3A_204 : vector<1024x1xf32>
    %mul3A_206 = arith.mulf %sub3A_198, %sub3A_18 : vector<1024x1xf32>
    %mul3A_207 = arith.mulf %sub3A_205, %sub3A_11 : vector<1024x1xf32>
    %sub3A_208 = arith.subf %mul3A_206, %mul3A_207 : vector<1024x1xf32>
    %mul3A_209 = arith.mulf %sub3A_205, %sub3A : vector<1024x1xf32>
    %mul3A_210 = arith.mulf %sub3A_191, %sub3A_18 : vector<1024x1xf32>
    %sub3A_211 = arith.subf %mul3A_209, %mul3A_210 : vector<1024x1xf32>
    %mul3A_212 = arith.mulf %sub3A_191, %sub3A_11 : vector<1024x1xf32>
    %mul3A_213 = arith.mulf %sub3A_198, %sub3A : vector<1024x1xf32>
    %sub3A_214 = arith.subf %mul3A_212, %mul3A_213 : vector<1024x1xf32>
    %mul3A_215 = arith.mulf %sub3A_208, %sub3A_208 : vector<1024x1xf32>
    %mul3A_216 = arith.mulf %sub3A_211, %sub3A_211 : vector<1024x1xf32>
    %add3A_217 = arith.addf %mul3A_215, %mul3A_216 : vector<1024x1xf32>
    %mul3A_218 = arith.mulf %sub3A_214, %sub3A_214 : vector<1024x1xf32>
    %add3A_219 = arith.addf %add3A_217, %mul3A_218 : vector<1024x1xf32>
    %sqrt3A_220 = math.sqrt %add3A_219 : vector<1024x1xf32>
    %mul3A_221 = arith.mulf %sub3A_191, %sub3A : vector<1024x1xf32>
    %mul3A_222 = arith.mulf %sub3A_198, %sub3A_11 : vector<1024x1xf32>
    %add3A_223 = arith.addf %mul3A_221, %mul3A_222 : vector<1024x1xf32>
    %mul3A_224 = arith.mulf %sub3A_205, %sub3A_18 : vector<1024x1xf32>
    %add3A_225 = arith.addf %add3A_223, %mul3A_224 : vector<1024x1xf32>
    %eq3A_226 = arith.constant 0.000000e+00 : f32
    %eq3A_227 = vector.broadcast %eq3A_226 : f32 to vector<1024x1xf32>
    %eq3A_228 = arith.cmpf oeq, %add3A_225, %eq3A_227 : vector<1024x1xf32>
    %jit3A_229 = arith.constant 0.000000e+00 : f32
    %broadcast_in_dim3A_230 = vector.broadcast %jit3A_229 : f32 to vector<1024x1xf32>
    %select_n3A_231 = arith.select %eq3A_228, %broadcast_in_dim3A_230, %add3A_225 : vector<1024x1xi1>, vector<1024x1xf32>
    %atan23A_232 = math.atan2 %sqrt3A_220, %select_n3A_231 : vector<1024x1xf32>
    %mul3A_233 = arith.constant 3.8197186 : f32
    %mul3A_234 = vector.broadcast %mul3A_233 : f32 to vector<1024x1xf32>
    %mul3A_235 = arith.mulf %atan23A_232, %mul3A_234 : vector<1024x1xf32>
    %mul3A_236 = vector.broadcast %mul3A_235 : vector<1024x1xf32> to vector<1024x128xf32>
    %mul3A_237 = vector.broadcast %exp3A : vector<1x128xf32> to vector<1024x128xf32>
    %mul3A_238 = arith.mulf %mul3A_236, %mul3A_237 : vector<1024x128xf32>
    %mul3A_239 = arith.constant 0.159154937 : f32
    %mul3A_240 = vector.broadcast %mul3A_239 : f32 to vector<1024x128xf32>
    %mul3A_241 = arith.mulf %mul3A_238, %mul3A_240 : vector<1024x128xf32>
    %round3A_242 = math.roundeven %mul3A_241 : vector<1024x128xf32>
    %sub3A_243 = arith.subf %mul3A_241, %round3A_242 : vector<1024x128xf32>
    %mul3A_244 = arith.mulf %sub3A_243, %sub3A_243 : vector<1024x128xf32>
    %mul3A_245 = arith.constant 33.1680946 : f32
    %mul3A_246 = vector.broadcast %mul3A_245 : f32 to vector<1024x128xf32>
    %mul3A_247 = arith.mulf %mul3A_246, %mul3A_244 : vector<1024x128xf32>
    %add3A_248 = arith.constant -74.6758804 : f32
    %add3A_249 = vector.broadcast %add3A_248 : f32 to vector<1024x128xf32>
    %add3A_250 = arith.addf %mul3A_247, %add3A_249 : vector<1024x128xf32>
    %mul3A_251 = arith.mulf %add3A_250, %mul3A_244 : vector<1024x128xf32>
    %add3A_252 = arith.constant 81.4000931 : f32
    %add3A_253 = vector.broadcast %add3A_252 : f32 to vector<1024x128xf32>
    %add3A_254 = arith.addf %mul3A_251, %add3A_253 : vector<1024x128xf32>
    %mul3A_255 = arith.mulf %add3A_254, %mul3A_244 : vector<1024x128xf32>
    %add3A_256 = arith.constant -41.3332481 : f32
    %add3A_257 = vector.broadcast %add3A_256 : f32 to vector<1024x128xf32>
    %add3A_258 = arith.addf %mul3A_255, %add3A_257 : vector<1024x128xf32>
    %mul3A_259 = arith.mulf %add3A_258, %mul3A_244 : vector<1024x128xf32>
    %add3A_260 = arith.constant 6.28308868 : f32
    %add3A_261 = vector.broadcast %add3A_260 : f32 to vector<1024x128xf32>
    %add3A_262 = arith.addf %mul3A_259, %add3A_261 : vector<1024x128xf32>
    %mul3A_263 = arith.mulf %add3A_262, %sub3A_243 : vector<1024x128xf32>
    %mul3A_264 = arith.constant -21.2827759 : f32
    %mul3A_265 = vector.broadcast %mul3A_264 : f32 to vector<1024x128xf32>
    %mul3A_266 = arith.mulf %mul3A_265, %mul3A_244 : vector<1024x128xf32>
    %add3A_267 = arith.constant 58.9124222 : f32
    %add3A_268 = vector.broadcast %add3A_267 : f32 to vector<1024x128xf32>
    %add3A_269 = arith.addf %mul3A_266, %add3A_268 : vector<1024x128xf32>
    %mul3A_270 = arith.mulf %add3A_269, %mul3A_244 : vector<1024x128xf32>
    %add3A_271 = arith.constant -85.2959442 : f32
    %add3A_272 = vector.broadcast %add3A_271 : f32 to vector<1024x128xf32>
    %add3A_273 = arith.addf %mul3A_270, %add3A_272 : vector<1024x128xf32>
    %mul3A_274 = arith.mulf %add3A_273, %mul3A_244 : vector<1024x128xf32>
    %add3A_275 = arith.constant 64.9306107 : f32
    %add3A_276 = vector.broadcast %add3A_275 : f32 to vector<1024x128xf32>
    %add3A_277 = arith.addf %mul3A_274, %add3A_276 : vector<1024x128xf32>
    %mul3A_278 = arith.mulf %add3A_277, %mul3A_244 : vector<1024x128xf32>
    %add3A_279 = arith.constant -19.7390347 : f32
    %add3A_280 = vector.broadcast %add3A_279 : f32 to vector<1024x128xf32>
    %add3A_281 = arith.addf %mul3A_278, %add3A_280 : vector<1024x128xf32>
    %mul3A_282 = arith.mulf %add3A_281, %mul3A_244 : vector<1024x128xf32>
    %add3A_283 = arith.constant 0.999999463 : f32
    %add3A_284 = vector.broadcast %add3A_283 : f32 to vector<1024x128xf32>
    %add3A_285 = arith.addf %mul3A_282, %add3A_284 : vector<1024x128xf32>
    %concatenate3A_286 = tpu.concatenate %mul3A_263, %add3A_285 in 1 : vector<1024x128xf32>, vector<1024x128xf32> -> vector<1024x256xf32>
    %convert_element_type3A_287 = arith.truncf %concatenate3A_286 : vector<1024x256xf32> to vector<1024x256xbf16>
    %get3A_288 = arith.constant 0 : index
    %get3A_289 = arith.constant 0 : index
    %get3A_290 = vector.load %arg8[%get3A_288, %get3A_289] : memref<256x256xbf16, #tpu.memory_space<vmem>>, vector<256x256xbf16>
    %dot_general3A_291 = arith.constant dense<0.000000e+00> : vector<1024x256xf32>
    %dot_general3A_292 = tpu.matmul %convert_element_type3A_287, %get3A_290, %dot_general3A_291 {dimension_numbers = #tpu.dot_dimension_numbers<[1], [0], [0], [1], [0, 0, 1, 1], [], []>, transpose_lhs_hint = false} : vector<1024x256xbf16>, vector<256x256xbf16>, vector<1024x256xf32> -> vector<1024x256xf32>
    %max3A_293 = arith.maximumf %dot_general3A_184, %dot_general3A_292 : vector<1024x256xf32>
    %get3A_294 = arith.constant 0 : index
    %get3A_295 = arith.constant 0 : index
    %get3A_296 = vector.load %arg5[%get3A_294, %get3A_295] : memref<1024x16xf32, #tpu.memory_space<vmem>>, vector<1024x1xf32>
    %get3A_297 = arith.constant 0 : index
    %get3A_298 = arith.constant 0 : index
    %get3A_299 = vector.load %arg1[%get3A_297, %get3A_298] : memref<1024x16xf32, #tpu.memory_space<vmem>>, vector<1024x1xf32>
    %sub3A_300 = arith.subf %get3A_296, %get3A_299 : vector<1024x1xf32>
    %get3A_301 = arith.constant 0 : index
    %get3A_302 = arith.constant 1 : index
    %get3A_303 = vector.load %arg5[%get3A_301, %get3A_302] : memref<1024x16xf32, #tpu.memory_space<vmem>>, vector<1024x1xf32>
    %get3A_304 = arith.constant 0 : index
    %get3A_305 = arith.constant 1 : index
    %get3A_306 = vector.load %arg1[%get3A_304, %get3A_305] : memref<1024x16xf32, #tpu.memory_space<vmem>>, vector<1024x1xf32>
    %sub3A_307 = arith.subf %get3A_303, %get3A_306 : vector<1024x1xf32>
    %get3A_308 = arith.constant 0 : index
    %get3A_309 = arith.constant 2 : index
    %get3A_310 = vector.load %arg5[%get3A_308, %get3A_309] : memref<1024x16xf32, #tpu.memory_space<vmem>>, vector<1024x1xf32>
    %get3A_311 = arith.constant 0 : index
    %get3A_312 = arith.constant 2 : index
    %get3A_313 = vector.load %arg1[%get3A_311, %get3A_312] : memref<1024x16xf32, #tpu.memory_space<vmem>>, vector<1024x1xf32>
    %sub3A_314 = arith.subf %get3A_310, %get3A_313 : vector<1024x1xf32>
    %mul3A_315 = arith.mulf %sub3A_307, %sub3A_18 : vector<1024x1xf32>
    %mul3A_316 = arith.mulf %sub3A_314, %sub3A_11 : vector<1024x1xf32>
    %sub3A_317 = arith.subf %mul3A_315, %mul3A_316 : vector<1024x1xf32>
    %mul3A_318 = arith.mulf %sub3A_314, %sub3A : vector<1024x1xf32>
    %mul3A_319 = arith.mulf %sub3A_300, %sub3A_18 : vector<1024x1xf32>
    %sub3A_320 = arith.subf %mul3A_318, %mul3A_319 : vector<1024x1xf32>
    %mul3A_321 = arith.mulf %sub3A_300, %sub3A_11 : vector<1024x1xf32>
    %mul3A_322 = arith.mulf %sub3A_307, %sub3A : vector<1024x1xf32>
    %sub3A_323 = arith.subf %mul3A_321, %mul3A_322 : vector<1024x1xf32>
    %mul3A_324 = arith.mulf %sub3A_317, %sub3A_317 : vector<1024x1xf32>
    %mul3A_325 = arith.mulf %sub3A_320, %sub3A_320 : vector<1024x1xf32>
    %add3A_326 = arith.addf %mul3A_324, %mul3A_325 : vector<1024x1xf32>
    %mul3A_327 = arith.mulf %sub3A_323, %sub3A_323 : vector<1024x1xf32>
    %add3A_328 = arith.addf %add3A_326, %mul3A_327 : vector<1024x1xf32>
    %sqrt3A_329 = math.sqrt %add3A_328 : vector<1024x1xf32>
    %mul3A_330 = arith.mulf %sub3A_300, %sub3A : vector<1024x1xf32>
    %mul3A_331 = arith.mulf %sub3A_307, %sub3A_11 : vector<1024x1xf32>
    %add3A_332 = arith.addf %mul3A_330, %mul3A_331 : vector<1024x1xf32>
    %mul3A_333 = arith.mulf %sub3A_314, %sub3A_18 : vector<1024x1xf32>
    %add3A_334 = arith.addf %add3A_332, %mul3A_333 : vector<1024x1xf32>
    %eq3A_335 = arith.constant 0.000000e+00 : f32
    %eq3A_336 = vector.broadcast %eq3A_335 : f32 to vector<1024x1xf32>
    %eq3A_337 = arith.cmpf oeq, %add3A_334, %eq3A_336 : vector<1024x1xf32>
    %jit3A_338 = arith.constant 0.000000e+00 : f32
    %broadcast_in_dim3A_339 = vector.broadcast %jit3A_338 : f32 to vector<1024x1xf32>
    %select_n3A_340 = arith.select %eq3A_337, %broadcast_in_dim3A_339, %add3A_334 : vector<1024x1xi1>, vector<1024x1xf32>
    %atan23A_341 = math.atan2 %sqrt3A_329, %select_n3A_340 : vector<1024x1xf32>
    %mul3A_342 = arith.constant 3.8197186 : f32
    %mul3A_343 = vector.broadcast %mul3A_342 : f32 to vector<1024x1xf32>
    %mul3A_344 = arith.mulf %atan23A_341, %mul3A_343 : vector<1024x1xf32>
    %mul3A_345 = vector.broadcast %mul3A_344 : vector<1024x1xf32> to vector<1024x128xf32>
    %mul3A_346 = vector.broadcast %exp3A : vector<1x128xf32> to vector<1024x128xf32>
    %mul3A_347 = arith.mulf %mul3A_345, %mul3A_346 : vector<1024x128xf32>
    %mul3A_348 = arith.constant 0.159154937 : f32
    %mul3A_349 = vector.broadcast %mul3A_348 : f32 to vector<1024x128xf32>
    %mul3A_350 = arith.mulf %mul3A_347, %mul3A_349 : vector<1024x128xf32>
    %round3A_351 = math.roundeven %mul3A_350 : vector<1024x128xf32>
    %sub3A_352 = arith.subf %mul3A_350, %round3A_351 : vector<1024x128xf32>
    %mul3A_353 = arith.mulf %sub3A_352, %sub3A_352 : vector<1024x128xf32>
    %mul3A_354 = arith.constant 33.1680946 : f32
    %mul3A_355 = vector.broadcast %mul3A_354 : f32 to vector<1024x128xf32>
    %mul3A_356 = arith.mulf %mul3A_355, %mul3A_353 : vector<1024x128xf32>
    %add3A_357 = arith.constant -74.6758804 : f32
    %add3A_358 = vector.broadcast %add3A_357 : f32 to vector<1024x128xf32>
    %add3A_359 = arith.addf %mul3A_356, %add3A_358 : vector<1024x128xf32>
    %mul3A_360 = arith.mulf %add3A_359, %mul3A_353 : vector<1024x128xf32>
    %add3A_361 = arith.constant 81.4000931 : f32
    %add3A_362 = vector.broadcast %add3A_361 : f32 to vector<1024x128xf32>
    %add3A_363 = arith.addf %mul3A_360, %add3A_362 : vector<1024x128xf32>
    %mul3A_364 = arith.mulf %add3A_363, %mul3A_353 : vector<1024x128xf32>
    %add3A_365 = arith.constant -41.3332481 : f32
    %add3A_366 = vector.broadcast %add3A_365 : f32 to vector<1024x128xf32>
    %add3A_367 = arith.addf %mul3A_364, %add3A_366 : vector<1024x128xf32>
    %mul3A_368 = arith.mulf %add3A_367, %mul3A_353 : vector<1024x128xf32>
    %add3A_369 = arith.constant 6.28308868 : f32
    %add3A_370 = vector.broadcast %add3A_369 : f32 to vector<1024x128xf32>
    %add3A_371 = arith.addf %mul3A_368, %add3A_370 : vector<1024x128xf32>
    %mul3A_372 = arith.mulf %add3A_371, %sub3A_352 : vector<1024x128xf32>
    %mul3A_373 = arith.constant -21.2827759 : f32
    %mul3A_374 = vector.broadcast %mul3A_373 : f32 to vector<1024x128xf32>
    %mul3A_375 = arith.mulf %mul3A_374, %mul3A_353 : vector<1024x128xf32>
    %add3A_376 = arith.constant 58.9124222 : f32
    %add3A_377 = vector.broadcast %add3A_376 : f32 to vector<1024x128xf32>
    %add3A_378 = arith.addf %mul3A_375, %add3A_377 : vector<1024x128xf32>
    %mul3A_379 = arith.mulf %add3A_378, %mul3A_353 : vector<1024x128xf32>
    %add3A_380 = arith.constant -85.2959442 : f32
    %add3A_381 = vector.broadcast %add3A_380 : f32 to vector<1024x128xf32>
    %add3A_382 = arith.addf %mul3A_379, %add3A_381 : vector<1024x128xf32>
    %mul3A_383 = arith.mulf %add3A_382, %mul3A_353 : vector<1024x128xf32>
    %add3A_384 = arith.constant 64.9306107 : f32
    %add3A_385 = vector.broadcast %add3A_384 : f32 to vector<1024x128xf32>
    %add3A_386 = arith.addf %mul3A_383, %add3A_385 : vector<1024x128xf32>
    %mul3A_387 = arith.mulf %add3A_386, %mul3A_353 : vector<1024x128xf32>
    %add3A_388 = arith.constant -19.7390347 : f32
    %add3A_389 = vector.broadcast %add3A_388 : f32 to vector<1024x128xf32>
    %add3A_390 = arith.addf %mul3A_387, %add3A_389 : vector<1024x128xf32>
    %mul3A_391 = arith.mulf %add3A_390, %mul3A_353 : vector<1024x128xf32>
    %add3A_392 = arith.constant 0.999999463 : f32
    %add3A_393 = vector.broadcast %add3A_392 : f32 to vector<1024x128xf32>
    %add3A_394 = arith.addf %mul3A_391, %add3A_393 : vector<1024x128xf32>
    %concatenate3A_395 = tpu.concatenate %mul3A_372, %add3A_394 in 1 : vector<1024x128xf32>, vector<1024x128xf32> -> vector<1024x256xf32>
    %convert_element_type3A_396 = arith.truncf %concatenate3A_395 : vector<1024x256xf32> to vector<1024x256xbf16>
    %get3A_397 = arith.constant 0 : index
    %get3A_398 = arith.constant 0 : index
    %get3A_399 = vector.load %arg8[%get3A_397, %get3A_398] : memref<256x256xbf16, #tpu.memory_space<vmem>>, vector<256x256xbf16>
    %dot_general3A_400 = arith.constant dense<0.000000e+00> : vector<1024x256xf32>
    %dot_general3A_401 = tpu.matmul %convert_element_type3A_396, %get3A_399, %dot_general3A_400 {dimension_numbers = #tpu.dot_dimension_numbers<[1], [0], [0], [1], [0, 0, 1, 1], [], []>, transpose_lhs_hint = false} : vector<1024x256xbf16>, vector<256x256xbf16>, vector<1024x256xf32> -> vector<1024x256xf32>
    %max3A_402 = arith.maximumf %max3A_293, %dot_general3A_401 : vector<1024x256xf32>
    %add3A_403 = arith.addf %dot_general3A_81, %max3A_402 : vector<1024x256xf32>
    %get3A_404 = arith.constant 0 : index
    %get3A_405 = arith.constant 0 : index
    %get3A_406 = vector.load %arg9[%get3A_404, %get3A_405] : memref<1x256xf32, #tpu.memory_space<vmem>>, vector<1x256xf32>
    %add3A_407 = vector.broadcast %get3A_406 : vector<1x256xf32> to vector<1024x256xf32>
    %add3A_408 = arith.addf %add3A_403, %add3A_407 : vector<1024x256xf32>
    %get3A_409 = arith.constant 0 : index
    %get3A_410 = arith.constant 0 : index
    %get3A_411 = vector.load %arg10[%get3A_409, %get3A_410] : memref<1x256xf32, #tpu.memory_space<vmem>>, vector<1x256xf32>
    %add3A_412 = vector.broadcast %get3A_411 : vector<1x256xf32> to vector<1024x256xf32>
    %add3A_413 = arith.addf %add3A_408, %add3A_412 : vector<1024x256xf32>
    %swap3A = arith.constant 0 : index
    %swap3A_414 = arith.constant 0 : index
    %swap3A_415 = vector.load %arg11[%swap3A, %swap3A_414] : memref<1024x256xf32, #tpu.memory_space<vmem>>, vector<1024x256xf32>
    tpu.vector_store %arg11[%swap3A, %swap3A_414], %add3A_413 {strides = array<i32>} : memref<1024x256xf32, #tpu.memory_space<vmem>>, vector<1024x256xf32>,
    return
  }
  func.func @transform_0(%arg0: i32) -> (i32, i32) {
    %c0_i32 = arith.constant 0 : i32
    %c0_i32_0 = arith.constant 0 : i32
    return %arg0, %c0_i32 : i32, i32
  }
  func.func @transform_1(%arg0: i32) -> (i32, i32) {
    %c0_i32 = arith.constant 0 : i32
    %c0_i32_0 = arith.constant 0 : i32
    return %arg0, %c0_i32 : i32, i32
  }
  func.func @transform_2(%arg0: i32) -> (i32, i32) {
    %c0_i32 = arith.constant 0 : i32
    %c0_i32_0 = arith.constant 0 : i32
    return %arg0, %c0_i32 : i32, i32
  }
  func.func @transform_3(%arg0: i32) -> (i32, i32) {
    %c0_i32 = arith.constant 0 : i32
    %c0_i32_0 = arith.constant 0 : i32
    return %arg0, %c0_i32 : i32, i32
  }
  func.func @transform_4(%arg0: i32) -> (i32, i32) {
    %c0_i32 = arith.constant 0 : i32
    %c0_i32_0 = arith.constant 0 : i32
    return %arg0, %c0_i32 : i32, i32
  }
  func.func @transform_5(%arg0: i32) -> (i32, i32) {
    %c0_i32 = arith.constant 0 : i32
    %c0_i32_0 = arith.constant 0 : i32
    return %arg0, %c0_i32 : i32, i32
  }
  func.func @transform_6(%arg0: i32) -> (i32, i32) {
    %c0_i32 = arith.constant 0 : i32
    %c0_i32_0 = arith.constant 0 : i32
    %c0_i32_1 = arith.constant 0 : i32
    return %c0_i32, %c0_i32_0 : i32, i32
  }
  func.func @transform_7(%arg0: i32) -> (i32, i32) {
    %c0_i32 = arith.constant 0 : i32
    %c0_i32_0 = arith.constant 0 : i32
    %c0_i32_1 = arith.constant 0 : i32
    return %c0_i32, %c0_i32_0 : i32, i32
  }
  func.func @transform_8(%arg0: i32) -> (i32, i32) {
    %c0_i32 = arith.constant 0 : i32
    %c0_i32_0 = arith.constant 0 : i32
    %c0_i32_1 = arith.constant 0 : i32
    return %c0_i32, %c0_i32_0 : i32, i32
  }
  func.func @transform_9(%arg0: i32) -> (i32, i32) {
    %c0_i32 = arith.constant 0 : i32
    %c0_i32_0 = arith.constant 0 : i32
    %c0_i32_1 = arith.constant 0 : i32
    return %c0_i32, %c0_i32_0 : i32, i32
  }
  func.func @transform_10(%arg0: i32) -> (i32, i32) {
    %c0_i32 = arith.constant 0 : i32
    %c0_i32_0 = arith.constant 0 : i32
    return %arg0, %c0_i32 : i32, i32
  }
}

</mosaic_0001>

<sc_bundles>
// kernel: kernel.5.cloned.1.call-start
scs
__scs_entry_jumppad:
0x0: {  	(pc) =	sbr.rel $0x88, $3  }
0x1: {  	(tag) =	ssettag $0x0;
	lr =	simm.s32 $0x1  }
0x2: {  	[smem:$0x3F9C] =	sst lr;
	_ =	strace $0xD0000000  }
0x3: {  	_ = 	snop  }
0x4: {  	_ = 	snop  }
0x5: {  	_ = 	snop  }
0x6: {  	_ = 	snop  }
0x7: {  	_ = 	snop  }
__scs_overlays_trampoline_lowered:
0x8: {  	[smem:$0x3FAB] =	sst s0  }
0x9: {  	[smem:$0x3FAC] =	sst s1  }
0xa: {  	[smem:$0x3FAD] =	sst s2  }
0xb: {  	[smem:$0x3FAE] =	sst s3  }
0xc: {  	[smem:$0x3FAF] =	sst s4  }
0xd: {  	[smem:$0x3FB0] =	sst s5  }
0xe: {  	[smem:$0x3FB1] =	sst s6  }
0xf: {  	[smem:$0x3FB2] =	sst s7  }
0x10: {  	[smem:$0x3FB3] =	sst s8  }
0x11: {  	[smem:$0x3FB4] =	sst s9;
	s0 =	simm.s32 @!p0 $0x0  }
0x12: {  	s1 =	sld [smem:$0x3F9A];
	s0 =	simm.s32 @p0 $0x1  }
0x13: {  	[smem:$0x3FB5] =	sst s0;
	s0 =	simm.s32 @!p1 $0x0  }
0x14: {  	s2 =	sld [smem:$0x3F99];
	s0 =	simm.s32 @p1 $0x1  }
0x15: {  	[smem:$0x3FB6] =	sst s0;
	s0 =	simm.s32 @!p2 $0x0  }
0x16: {  	s3 =	sld [smem:$0x3FDB];
	s0 =	simm.s32 @p2 $0x1  }
0x17: {  	s4 =	simm.s32 $0x1BF5;
	[smem:$0x3FB8] =	sst s0  }
0x18: {  	s0 =	sld [smem:$0x3F9B];
	_ =	swait.ge [sflag:s4], $0x0  }
0x19: {  	s7 =	sld [smem:$0x3F9C]  }
0x1a: {  	s8 =	sadd.s32 $0xFFFFE003, lr  }
0x1b: {  	s9 =	sadd.s32 $0xFFFFFEF7, lr;
	s5 =	simm.s32 $0xFFFFFFFF;
	p2 =	slt.u32 s8, $0xFFFFF086  }
0x1c: {  	p1 =	slt.u32 s9, $0xF7A;
	s5 =	simm.s32 @!p2 $0x0  }
0x1d: {  	s5 =	simm.s32 @p1 $0x1;
	p0 =	seq.s32 s7, s2  }
0x1e: {  	s7 =	smul.u32 @!p0 $0xF7A, s2;
	p2 =	seq.s32 @!p0 s5, $0x0  }
0x1f: {  	s9 =	smul.u32 $0xF7A, s1;
	s8 =	simm.s32 @!p0 $0x1BF5;
	p2 =	por !p2, p0  }
0x20: {  	[sflag:s8] =	ssyncset.s32 @!p0 $0xFFFFF086;
	s6 =	sadd.s32 @!p0 s3, s7;
	s7 =	simm.s32 @!p0 $0x108  }
0x21: {  	s3 =	sadd.s32 s3, s9;
	s6 =	sadd.s32 @!p0 $0x88, s6;
	s7 =	simm.s32 @p2 $0x1082  }
0x22: {  	[simem:s7], [sflag:s8] =	dma.local @!p0 [hbm:s6], $0xF7A  }
0x23: {  	s9 =	sor.u32 $0xD0000000, s2;
	s6 =	simm.s32 $0x108;
	_ =	swait.ge @!p0 [sflag:s8], $0x0  }
0x24: {  	s3 =	sadd.s32 $0x88, s3;
	s6 =	simm.s32 @!p1 $0x1082;
	[sflag:s4] =	ssyncset.s32 $0xFFFFF086  }
0x25: {  	[simem:s6], [sflag:s4] =	dma.local [hbm:s3], $0xF7A  }
0x26: {  	[smem:$0x3F9C] =	sst s1;
	(tag) =	ssettag s2;
	_ =	strace s9  }
0x27: {  	s1 =	sld [smem:$0x3FAC]  }
0x28: {  	s2 =	sld [smem:$0x3FAD]  }
0x29: {  	s4 =	sld [smem:$0x3FAF]  }
0x2a: {  	p0 =	seq.s32 s5, $0x0;
	s5 =	sld [smem:$0x3FB0]  }
0x2b: {  	s6 =	sld [smem:$0x3FB1]  }
0x2c: {  	s7 =	sld [smem:$0x3FB2]  }
0x2d: {  	s3 =	simm.s32 $0x108;
	s8 =	sld [smem:$0x3FB3]  }
0x2e: {  	s3 =	simm.s32 @!p0 $0x1082;
	s9 =	sld [smem:$0x3FB4]  }
0x2f: {  	lr =	sadd.s32 s0, s3;
	s0 =	sld [smem:$0x3FAB]  }
0x30: {  	s3 =	sld [smem:$0x3FAE]  }
0x31: {  	[smem:$0x3FB7] =	sst s10  }
0x32: {  	s10 =	sld [smem:$0x3FB5];
	_ =	sdelay $0x3  }
0x33: {  	p0 =	seq.s32 s10, $0x1;
	s10 =	sld [smem:$0x3FB7];
	_ =	sdelay $0x3  }
0x34: {  	[smem:$0x3FB7] =	sst s10  }
0x35: {  	s10 =	sld [smem:$0x3FB6];
	_ =	sdelay $0x3  }
0x36: {  	p1 =	seq.s32 s10, $0x1;
	s10 =	sld [smem:$0x3FB7];
	_ =	sdelay $0x3  }
0x37: {  	[smem:$0x3FB7] =	sst s10  }
0x38: {  	s10 =	sld [smem:$0x3FB8]  }
0x39: {  	_ = 	snop;
	(pc) =	sbr.ind lr, $3  }
0x3a: {  	_ = 	snop  }
0x3b: {  	_ = 	snop  }
0x3c: {  	p2 =	seq.s32 s10, $0x1;
	s10 =	sld [smem:$0x3FB7]  }
0x3d: {  	_ =	shalt  }
0x3e: {  	_ =	shalt  }
0x3f: {  	_ =	shalt  }
0x40: {  	_ =	shalt  }
0x41: {  	_ =	shalt  }
0x42: {  	_ =	shalt  }
0x43: {  	_ =	shalt  }
0x44: {  	_ =	shalt  }
0x45: {  	_ =	shalt  }
0x46: {  	_ =	shalt  }
0x47: {  	_ =	shalt  }
0x48: {  	_ =	shalt  }
0x49: {  	_ =	shalt  }
0x4a: {  	_ =	shalt  }
0x4b: {  	_ =	shalt  }
0x4c: {  	_ =	shalt  }
0x4d: {  	_ =	shalt  }
0x4e: {  	_ =	shalt  }
0x4f: {  	_ =	shalt  }
0x50: {  	_ =	shalt  }
0x51: {  	_ =	shalt  }
0x52: {  	_ =	shalt  }
0x53: {  	_ =	shalt  }
0x54: {  	_ =	shalt  }
0x55: {  	_ =	shalt  }
0x56: {  	_ =	shalt  }
0x57: {  	_ =	shalt  }
0x58: {  	_ =	shalt  }
0x59: {  	_ =	shalt  }
0x5a: {  	_ =	shalt  }
0x5b: {  	_ =	shalt  }
0x5c: {  	_ =	shalt  }
0x5d: {  	_ =	shalt  }
0x5e: {  	_ =	shalt  }
0x5f: {  	_ =	shalt  }
0x60: {  	_ =	shalt  }
0x61: {  	_ =	shalt  }
0x62: {  	_ =	shalt  }
0x63: {  	_ =	shalt  }
0x64: {  	_ =	shalt  }
0x65: {  	_ =	shalt  }
0x66: {  	_ =	shalt  }
0x67: {  	_ =	shalt  }
0x68: {  	_ =	shalt  }
0x69: {  	_ =	shalt  }
0x6a: {  	_ =	shalt  }
0x6b: {  	_ =	shalt  }
0x6c: {  	_ =	shalt  }
0x6d: {  	_ =	shalt  }
0x6e: {  	_ =	shalt  }
0x6f: {  	_ =	shalt  }
0x70: {  	_ =	shalt  }
0x71: {  	_ =	shalt  }
0x72: {  	_ =	shalt  }
0x73: {  	_ =	shalt  }
0x74: {  	_ =	shalt  }
0x75: {  	_ =	shalt  }
0x76: {  	_ =	shalt  }
0x77: {  	_ =	shalt  }
0x78: {  	_ =	shalt  }
0x79: {  	_ =	shalt  }
0x7a: {  	_ =	shalt  }
0x7b: {  	_ =	shalt  }
0x7c: {  	_ =	shalt  }
0x7d: {  	_ =	shalt  }
0x7e: {  	_ =	shalt  }
0x7f: {  	_ =	shalt  }
0x80: {  	_ =	shalt  }
0x81: {  	_ =	shalt  }
0x82: {  	_ =	shalt  }
0x83: {  	_ =	shalt  }
0x84: {  	_ =	shalt  }
0x85: {  	_ =	shalt  }
0x86: {  	_ =	shalt  }
0x87: {  	_ =	shalt  }
.Lfunc_end0:
.L_simem_size_0:
called_computation.1_lowered:
.L_overlay_start_0:
0x88: {  	s2 =	sld [smem:$0x3FD9]  }
0x89: {  	s3 =	sld [smem:$0x3FFE];
	_ =	sdelay $0x1  }
0x8a: {  	s1 =	srdreg.scid  }
0x8b: {  	s0 =	sand.u32 $0x1, s1  }
0x8c: {  	s14 =	sshll.u32 s0, $0xA;
	s2 =	sadd.s32 s3, s2  }
0x8d: {  	s2 =	sadd.s32 s2, s14  }
0x8e: {  	[smem:$0x3FC3] =	sst s2  }
0x8f: {  	_ = 	snop  }
0x90: {  	s2 =	sld [smem:$0x3FD0];
	_ =	sdelay $0x2  }
0x91: {  	s15 =	simm.s32 $0xA;
	s4 =	simm.s32 $0x10  }
0x92: {  	[smem:s4], [sflag:s15] =	dma.local [hbm:s2], $0x1  }
0x93: {  	_ =	swait.eq [sflag:s15], $0x1  }
0x94: {  	[sflag:s15] =	ssyncset.done $0x0  }
0x95: {  	s16 =	sld [smem:$0x10];
	[sflag:s15] =	ssyncadd.s32 $0xFFFFFFFF  }
0x96: {  	s17 =	sld [smem:$0x11];
	(tm) =	ssettm $0x1  }
0x97: {  	s18 =	sld [smem:$0x3FFB];
	_ =	sdelay $0x3  }
0x98: {  	_ =	strace s18  }
0x99: {  	s4 =	sld [smem:$0x3FFC];
	_ =	sdelay $0x3  }
0x9a: {  	_ =	strace s4  }
0x9b: {  	s4 =	sld [smem:$0x3FFD];
	_ =	sdelay $0x3  }
0x9c: {  	_ =	strace s4  }
0x9d: {  	_ =	strace $0x8FFFFFFF  }
0x9e: {  	s19 =	sld [smem:$0x3FDB];
	_ =	sdelay $0x1  }
0x9f: {  	s5 =	simm.s32 $_scs_section_size  }
0xa0: {  	s6 =	simm.s32 $_size__tile_overlayer_lowered;
	s7 =	simm.s32 $_tile_overlayer_lowered  }
0xa1: {  	s22 =	simm.s32 $0x1BFF;
	s21 =	sshll.u32 s7, $0x1;
	s4 =	sadd.s32 s5, s19  }
0xa2: {  	s8 =	simm.s32 $0x0;
	s20 =	sshll.u32 s6, $0x1;
	s6 =	sadd.s32 s21, s4  }
0xa3: {  	[timem:s8], [sflag:s22] =	dma.local [hbm:s6], s20  }
0xa4: {  	_ =	swait.ge [sflag:s22], s20  }
0xa5: {  	s5 =	ssub.s32 $0x0, s20;
	[sflag:s22] =	ssyncset.done $0x0  }
0xa6: {  	[sflag:s22] =	ssyncadd.s32 s5;
	_ =	sdelay $0x1  }
0xa7: {  	s23 =	simm.s32 $0x1B8B  }
0xa8: {  	_ =	swait.ge [sflag:s23], $0x1  }
0xa9: {  	[sflag:s23] =	ssyncset.done $0x0  }
0xaa: {  	s25 =	simm.s32 $0x1B8E;
	s24 =	sld [smem:$0x3FFE];
	[sflag:s23] =	ssyncadd.s32 $0xFFFFFFFF  }
0xab: {  	s26 =	simm.s32 $execute0_lowered;
	[smem:$0x3FD2] =	sst s25  }
0xac: {  	s6 =	sshll.u32 s26, $0x1;
	_ =	strace $0x80000046;
	[dreg:$0x1] =	wrdreg $0xFFFFFFFF  }
0xad: {  	s28 =	simm.s32 $_size_execute0_lowered;
	s4 =	sadd.s32 s4, s6;
	[dreg:$0x0] =	wrdreg $0x0  }
0xae: {  	s6 =	sshll.u32 s28, $0x1;
	[dreg:$0x2] =	wrdreg s4  }
0xaf: {  	[dreg:$0x3] =	wrdreg s6  }
0xb0: {  	[dreg:$0x4] =	wrdreg $0xC0  }
0xb1: {  	_ =	task [dreg:s8], $0x5FFFF  }
0xb2: {  	[dreg:$0x1] =	wrdreg $0xFFFFFFFF  }
0xb3: {  	[dreg:$0x0] =	wrdreg $0x60  }
0xb4: {  	[dreg:$0x2] =	wrdreg s17  }
0xb5: {  	[dreg:$0x3] =	wrdreg s24  }
0xb6: {  	[dreg:$0x4] =	wrdreg s16  }
0xb7: {  	[dreg:$0x5] =	wrdreg $0x9  }
0xb8: {  	_ =	task.clear_ibuf [dreg:s8], $0x6FFFF;
	_ =	strace $0x90000046  }
0xb9: {  	s29 =	simm.s32 $0x9;
	_ =	strace $0x80000048  }
0xba: {  	_ =	swait.ge [sflag:s29], $0x1  }
0xbb: {  	[sflag:s29] =	ssyncadd.s32 $0xFFFFFFFF  }
0xbc: {  	_ =	strace $0x90000048  }
0xbd: {  	_ =	sfence  }
0xbe: {  	s30 =	sld [smem:$0x0];
	_ =	sdelay $0x2  }
0xbf: {  	s31 =	sshll.u32 s1, $0xD;
	s1 =	sshrl.u32 s1, $0x2  }
0xc0: {  	s3 =	sand.u32 $0x4000, s31;
	s1 =	sadd.s32 s1, s30  }
0xc1: {  	s0 =	sor.u32 s3, s0;
	s1 =	sshll.u32 s1, $0x11  }
0xc2: {  	s0 =	sor.u32 s1, s0  }
0xc3: {  	s0 =	sadd.s32 $0x8F2B, s0  }
0xc4: {  	[sflag:s0] =	ssyncadd.remote.s32 $0x1  }
0xc5: {  	_ =	sfence.sel $0xFFFF  }
0xc6: {  	[dreg:$0x0] =	wrdreg $0xFFFFFFFF;
	(pc) =	sbr.abs _section_cstart, $3  }
0xc7: {  	[dreg:$0x1] =	wrdreg $0xFFFFFFFF  }
0xc8: {  	_ =	task.clear_ibuf [dreg:s8], $0x2FFFF;
	_ =	strace $0x9FFFFFFF  }
0xc9: {  	(tm) =	ssettm $0x7FFFFFFF  }
tec
execute0_lowered:
.L_overlay_start_1:
0x0: {  	(tag) =	ssettag $0x1  }
0x1: {  	s1 =	rddreg [dreg:$0x0]  }
0x2: {  	s2 =	srdreg.scid;
	s0 =	stileid.u32  }
0x3: {  	s4 =	rddreg [dreg:$0x1];
	s17 =	sand.u32 $0x1, s2;
	s29 =	sshll.u32 s0, $0x1  }
0x4: {  	s16 =	rddreg [dreg:$0x2];
	s9 =	sor.u32 s17, s29  }
0x5: {  	s3 =	simm.s32 $0x0;
	s2 =	rddreg [dreg:$0x3];
	s5 =	smul.u32 $0x578, s9  }
0x6: {  	[smem:$0x7FF] =	sst s3;
	s15 =	sadd.s32 $0xA000, s4  }
0x7: {  	s4 =	simm.s32 $0x2;
	_ =	strace $0x80000047;
	s5 =	sadd.s32 s15, s5  }
0x8: {  	[tilespmem:s3], [sflag:$0x2] =	stream.linear.gather [hbm4b:s5+s3], $0x8C0, $0x38;
	[tilespmem:$0x94C0] =	vst v63  }
0x9: {  	_ =	swait.ge [sflag:s4], $0x8C0  }
0xa: {  	[sflag:s4] =	ssyncset.done $0x0  }
0xb: {  	s6 =	simm.s32 $0x8C0;
	s7 =	simm.s32 $0x1;
	[sflag:s4] =	ssyncadd.s32 $0xFFFFF740  }
0xc: {  	[tilespmem:s6], [sflag:$0x1] =	stream.indirect.gather [hbm4b:s1+s6], $0x10, s3, s6, $0xb8;
	[tilespmem:$0x94C0] =	vst v63  }
0xd: {  	s8 =	smul.u32 $0x5780, s9;
	_ =	swait.ge [sflag:s7], $0x8C00  }
0xe: {  	[sflag:s7] =	ssyncset.done $0x0  }
0xf: {  	s18 =	smul.u32 $0x2BC0, s9;
	s8 =	sadd.s32 s16, s8;
	[sflag:s7] =	ssyncadd.s32 $0xFFFF7400  }
0x10: {  	[hbm4b:s8+s3] =	stream.linear.scatter [tilespmem:s6], [sflag:$0x2], $0x8C00, $0x38;
	[tilespmem:$0x94C0] =	vst v63  }
0x11: {  	s10 =	sadd.s32 $0x8C0, s18;
	_ =	swait.ge [sflag:s4], $0x8C00  }
0x12: {  	s30 =	sshrl.u32 s10, $0x3;
	[sflag:s4] =	ssyncset.done $0x0  }
0x13: {  	s9 =	sadd.s32 s15, s30;
	[sflag:s4] =	ssyncadd.s32 $0xFFFF7400  }
0x14: {  	[tilespmem:s3], [sflag:$0x2] =	stream.linear.gather [hbm4b:s9+s3], $0x8C0, $0x38;
	[tilespmem:$0x94C0] =	vst v63  }
0x15: {  	_ =	swait.ge [sflag:s4], $0x8C0  }
0x16: {  	[sflag:s4] =	ssyncset.done $0x0  }
0x17: {  	[sflag:s4] =	ssyncadd.s32 $0xFFFFF740  }
0x18: {  	[tilespmem:s6], [sflag:$0x1] =	stream.indirect.gather [hbm4b:s1+s6], $0x10, s3, s6, $0xb8;
	[tilespmem:$0x94C0] =	vst v63  }
0x19: {  	_ =	swait.ge [sflag:s7], $0x8C00  }
0x1a: {  	s10 =	sshll.u32 s10, $0x1;
	[sflag:s7] =	ssyncset.done $0x0  }
0x1b: {  	s10 =	sadd.s32 s16, s10;
	[sflag:s7] =	ssyncadd.s32 $0xFFFF7400  }
0x1c: {  	[hbm4b:s10+s3] =	stream.linear.scatter [tilespmem:s6], [sflag:$0x2], $0x8C00, $0x38;
	[tilespmem:$0x94C0] =	vst v63  }
0x1d: {  	s12 =	sadd.s32 $0x1180, s18;
	_ =	swait.ge [sflag:s4], $0x8C00  }
0x1e: {  	s11 =	sshrl.u32 s12, $0x3;
	[sflag:s4] =	ssyncset.done $0x0  }
0x1f: {  	s11 =	sadd.s32 s15, s11;
	[sflag:s4] =	ssyncadd.s32 $0xFFFF7400  }
0x20: {  	[tilespmem:s3], [sflag:$0x2] =	stream.linear.gather [hbm4b:s11+s3], $0x8C0, $0x38;
	[tilespmem:$0x94C0] =	vst v63  }
0x21: {  	_ =	swait.ge [sflag:s4], $0x8C0  }
0x22: {  	[sflag:s4] =	ssyncset.done $0x0  }
0x23: {  	[sflag:s4] =	ssyncadd.s32 $0xFFFFF740  }
0x24: {  	[tilespmem:s6], [sflag:$0x1] =	stream.indirect.gather [hbm4b:s1+s6], $0x10, s3, s6, $0xb8;
	[tilespmem:$0x94C0] =	vst v63  }
0x25: {  	_ =	swait.ge [sflag:s7], $0x8C00  }
0x26: {  	s12 =	sshll.u32 s12, $0x1;
	[sflag:s7] =	ssyncset.done $0x0  }
0x27: {  	s12 =	sadd.s32 s16, s12;
	[sflag:s7] =	ssyncadd.s32 $0xFFFF7400  }
0x28: {  	[hbm4b:s12+s3] =	stream.linear.scatter [tilespmem:s6], [sflag:$0x2], $0x8C00, $0x38;
	[tilespmem:$0x94C0] =	vst v63  }
0x29: {  	s14 =	sadd.s32 $0x1A40, s18;
	_ =	swait.ge [sflag:s4], $0x8C00  }
0x2a: {  	s13 =	sshrl.u32 s14, $0x3;
	[sflag:s4] =	ssyncset.done $0x0  }
0x2b: {  	s13 =	sadd.s32 s15, s13;
	[sflag:s4] =	ssyncadd.s32 $0xFFFF7400  }
0x2c: {  	[tilespmem:s3], [sflag:$0x2] =	stream.linear.gather [hbm4b:s13+s3], $0x8C0, $0x38;
	[tilespmem:$0x94C0] =	vst v63  }
0x2d: {  	_ =	swait.ge [sflag:s4], $0x8C0  }
0x2e: {  	[sflag:s4] =	ssyncset.done $0x0  }
0x2f: {  	[sflag:s4] =	ssyncadd.s32 $0xFFFFF740  }
0x30: {  	[tilespmem:s6], [sflag:$0x1] =	stream.indirect.gather [hbm4b:s1+s6], $0x10, s3, s6, $0xb8;
	[tilespmem:$0x94C0] =	vst v63  }
0x31: {  	_ =	swait.ge [sflag:s7], $0x8C00  }
0x32: {  	s14 =	sshll.u32 s14, $0x1;
	[sflag:s7] =	ssyncset.done $0x0  }
0x33: {  	s14 =	sadd.s32 s16, s14;
	[sflag:s7] =	ssyncadd.s32 $0xFFFF7400  }
0x34: {  	[hbm4b:s14+s3] =	stream.linear.scatter [tilespmem:s6], [sflag:$0x2], $0x8C00, $0x38;
	[tilespmem:$0x94C0] =	vst v63  }
0x35: {  	s18 =	sadd.s32 $0x2300, s18;
	_ =	swait.ge [sflag:s4], $0x8C00  }
0x36: {  	s19 =	sshrl.u32 s18, $0x3;
	[sflag:s4] =	ssyncset.done $0x0  }
0x37: {  	s17 =	ssub.s32 $0x2, s17;
	s15 =	sadd.s32 s15, s19;
	[sflag:s4] =	ssyncadd.s32 $0xFFFF7400  }
0x38: {  	[tilespmem:s3], [sflag:$0x2] =	stream.linear.gather [hbm4b:s15+s3], $0x8C0, $0x38;
	[tilespmem:$0x94C0] =	vst v63  }
0x39: {  	s31 =	sshrl.u32 s17, $0x1;
	_ =	swait.ge [sflag:s4], $0x8C0  }
0x3a: {  	s17 =	ssub.s32 s17, s31;
	[sflag:s4] =	ssyncset.done $0x0  }
0x3b: {  	s17 =	smax.u32 s17, $0x1;
	[sflag:s4] =	ssyncadd.s32 $0xFFFFF740  }
0x3c: {  	[tilespmem:s6], [sflag:$0x1] =	stream.indirect.gather [hbm4b:s1+s6], $0x10, s3, s6, $0xb8;
	[tilespmem:$0x94C0] =	vst v63  }
0x3d: {  	p0 =	sne.s32 s17, $0x1;
	_ =	swait.ge [sflag:s7], $0x8C00  }
.Ltmp0:
0x3e: {  	s18 =	sshll.u32 s18, $0x1;
	[sflag:s7] =	ssyncset.done $0x0;
	(pc) =	sbr.rel @!p0 .LBB2_2-.Ltmp0, $4  }
0x3f: {  	s16 =	sadd.s32 s16, s18;
	[sflag:s7] =	ssyncadd.s32 $0xFFFF7400  }
0x40: {  	[hbm4b:s16+s3] =	stream.linear.scatter [tilespmem:s6], [sflag:$0x2], $0x8C00, $0x38;
	[tilespmem:$0x94C0] =	vst v63  }
0x41: {  	_ =	swait.ge [sflag:s4], $0x8C00  }
0x42: {  	s17 =	sadd.s32 $0xFFFFFFFF, s17;
	[sflag:s4] =	ssyncset.done $0x0  }
.LBB2_1:
0x43: {  	p0 =	sne.s32 s17, $0x1;
	s17 =	sadd.s32 $0xFFFFFFFF, s17;
	[sflag:s4] =	ssyncadd.s32 $0xFFFF7400  }
0x44: {  	[tilespmem:s3], [sflag:$0x2] =	stream.linear.gather [hbm4b:s5+s3], $0x8C0, $0x38;
	[tilespmem:$0x94C0] =	vst v63  }
0x45: {  	_ =	swait.ge [sflag:s4], $0x8C0  }
0x46: {  	[sflag:s4] =	ssyncset.done $0x0  }
0x47: {  	[sflag:s4] =	ssyncadd.s32 $0xFFFFF740  }
0x48: {  	[tilespmem:s6], [sflag:$0x1] =	stream.indirect.gather [hbm4b:s1+s6], $0x10, s3, s6, $0xb8;
	[tilespmem:$0x94C0] =	vst v63  }
0x49: {  	_ =	swait.ge [sflag:s7], $0x8C00  }
0x4a: {  	[sflag:s7] =	ssyncset.done $0x0  }
0x4b: {  	[sflag:s7] =	ssyncadd.s32 $0xFFFF7400  }
0x4c: {  	[hbm4b:s8+s3] =	stream.linear.scatter [tilespmem:s6], [sflag:$0x2], $0x8C00, $0x38;
	[tilespmem:$0x94C0] =	vst v63  }
0x4d: {  	_ =	swait.ge [sflag:s4], $0x8C00  }
0x4e: {  	[sflag:s4] =	ssyncset.done $0x0  }
0x4f: {  	[sflag:s4] =	ssyncadd.s32 $0xFFFF7400  }
0x50: {  	[tilespmem:s3], [sflag:$0x2] =	stream.linear.gather [hbm4b:s9+s3], $0x8C0, $0x38;
	[tilespmem:$0x94C0] =	vst v63  }
0x51: {  	_ =	swait.ge [sflag:s4], $0x8C0  }
0x52: {  	[sflag:s4] =	ssyncset.done $0x0  }
0x53: {  	[sflag:s4] =	ssyncadd.s32 $0xFFFFF740  }
0x54: {  	[tilespmem:s6], [sflag:$0x1] =	stream.indirect.gather [hbm4b:s1+s6], $0x10, s3, s6, $0xb8;
	[tilespmem:$0x94C0] =	vst v63  }
0x55: {  	_ =	swait.ge [sflag:s7], $0x8C00  }
0x56: {  	[sflag:s7] =	ssyncset.done $0x0  }
0x57: {  	[sflag:s7] =	ssyncadd.s32 $0xFFFF7400  }
0x58: {  	[hbm4b:s10+s3] =	stream.linear.scatter [tilespmem:s6], [sflag:$0x2], $0x8C00, $0x38;
	[tilespmem:$0x94C0] =	vst v63  }
0x59: {  	_ =	swait.ge [sflag:s4], $0x8C00  }
0x5a: {  	[sflag:s4] =	ssyncset.done $0x0  }
0x5b: {  	[sflag:s4] =	ssyncadd.s32 $0xFFFF7400  }
0x5c: {  	[tilespmem:s3], [sflag:$0x2] =	stream.linear.gather [hbm4b:s11+s3], $0x8C0, $0x38;
	[tilespmem:$0x94C0] =	vst v63  }
0x5d: {  	_ =	swait.ge [sflag:s4], $0x8C0  }
0x5e: {  	[sflag:s4] =	ssyncset.done $0x0  }
0x5f: {  	[sflag:s4] =	ssyncadd.s32 $0xFFFFF740  }
0x60: {  	[tilespmem:s6], [sflag:$0x1] =	stream.indirect.gather [hbm4b:s1+s6], $0x10, s3, s6, $0xb8;
	[tilespmem:$0x94C0] =	vst v63  }
0x61: {  	_ =	swait.ge [sflag:s7], $0x8C00  }
0x62: {  	[sflag:s7] =	ssyncset.done $0x0  }
0x63: {  	[sflag:s7] =	ssyncadd.s32 $0xFFFF7400  }
0x64: {  	[hbm4b:s12+s3] =	stream.linear.scatter [tilespmem:s6], [sflag:$0x2], $0x8C00, $0x38;
	[tilespmem:$0x94C0] =	vst v63  }
0x65: {  	_ =	swait.ge [sflag:s4], $0x8C00  }
0x66: {  	[sflag:s4] =	ssyncset.done $0x0  }
0x67: {  	[sflag:s4] =	ssyncadd.s32 $0xFFFF7400  }
0x68: {  	[tilespmem:s3], [sflag:$0x2] =	stream.linear.gather [hbm4b:s13+s3], $0x8C0, $0x38;
	[tilespmem:$0x94C0] =	vst v63  }
0x69: {  	_ =	swait.ge [sflag:s4], $0x8C0  }
0x6a: {  	[sflag:s4] =	ssyncset.done $0x0  }
0x6b: {  	[sflag:s4] =	ssyncadd.s32 $0xFFFFF740  }
0x6c: {  	[tilespmem:s6], [sflag:$0x1] =	stream.indirect.gather [hbm4b:s1+s6], $0x10, s3, s6, $0xb8;
	[tilespmem:$0x94C0] =	vst v63  }
0x6d: {  	_ =	swait.ge [sflag:s7], $0x8C00  }
0x6e: {  	[sflag:s7] =	ssyncset.done $0x0  }
0x6f: {  	[sflag:s7] =	ssyncadd.s32 $0xFFFF7400  }
0x70: {  	[hbm4b:s14+s3] =	stream.linear.scatter [tilespmem:s6], [sflag:$0x2], $0x8C00, $0x38;
	[tilespmem:$0x94C0] =	vst v63  }
0x71: {  	_ =	swait.ge [sflag:s4], $0x8C00  }
0x72: {  	[sflag:s4] =	ssyncset.done $0x0  }
0x73: {  	[sflag:s4] =	ssyncadd.s32 $0xFFFF7400  }
0x74: {  	[tilespmem:s3], [sflag:$0x2] =	stream.linear.gather [hbm4b:s15+s3], $0x8C0, $0x38;
	[tilespmem:$0x94C0] =	vst v63  }
0x75: {  	_ =	swait.ge [sflag:s4], $0x8C0  }
0x76: {  	[sflag:s4] =	ssyncset.done $0x0  }
0x77: {  	[sflag:s4] =	ssyncadd.s32 $0xFFFFF740  }
0x78: {  	[tilespmem:s6], [sflag:$0x1] =	stream.indirect.gather [hbm4b:s1+s6], $0x10, s3, s6, $0xb8;
	[tilespmem:$0x94C0] =	vst v63  }
0x79: {  	_ =	swait.ge [sflag:s7], $0x8C00  }
.Ltmp1:
0x7a: {  	[sflag:s7] =	ssyncset.done $0x0;
	(pc) =	sbr.rel @p0 .LBB2_1-.Ltmp1, $4  }
0x7b: {  	[sflag:s7] =	ssyncadd.s32 $0xFFFF7400  }
0x7c: {  	[hbm4b:s16+s3] =	stream.linear.scatter [tilespmem:s6], [sflag:$0x2], $0x8C00, $0x38;
	[tilespmem:$0x94C0] =	vst v63  }
0x7d: {  	_ =	swait.ge [sflag:s4], $0x8C00  }
0x7e: {  	[sflag:s4] =	ssyncset.done $0x0  }
.LBB2_2:
0x7f: {  	[sflag:s4] =	ssyncadd.s32 $0xFFFF7400  }
0x80: {  	_ =	sfence.sel $0x180000  }
0x81: {  	[bflag:$0x0] =	sbarrier.arrive $0xFFFF  }
0x82: {  	p0 =	sne.s32 s0, $0x0;
	_ =	strace $0x90000047  }
0x83: {  	s0 =	sadd.s32 @!p0 $0x100000, s2;
	[bflag:$0x2] =	sbarrier.arrive $0xFFFF  }
0x84: {  	[sflag:s0] =	ssyncadd.tile.s32 @!p0 $0x1;
	_ =	shalt  }
.Lfunc_end2:
_tile_overlayer_lowered:
.L_overlay_start_2:
0x85: {  	(tag) =	ssettag $0x2  }
0x86: {  	s0 =	rddreg [dreg:$0x0];
	s2 =	stileid.u32  }
0x87: {  	s1 =	rddreg [dreg:$0x1];
	p0 =	sne.s32 s2, $0x0  }
0x88: {  	s3 =	rddreg [dreg:$0x2];
	[bflag:$0x3] =	sbarrier.arrive $0xFFFF;
	s2 =	simm.s32 @!p0 $0x1C02  }
0x89: {  	[timem:s3], [sflag:s2] =	dma.local @!p0 [hbm:s0], s1  }
0x8a: {  	s0 =	simm.s32 @!p0 $0x2  }
0x8b: {  	_ =	swait.ge @!p0 [sflag:s0], s1  }
0x8c: {  	s1 =	ssub.s32 @!p0 $0x0, s1;
	[sflag:s0] =	ssyncset.done @!p0 $0x0  }
0x8d: {  	[sflag:s0] =	ssyncadd.s32 @!p0 s1  }
0x8e: {  	[bflag:$0x3] =	sbarrier.arrive $0xFFFF  }
0x8f: {  	_ =	shalt  }

// kernel: sparse-core-data-format-call.cloned.1.call-start
scs
called_computation_lowered:
.L_overlay_start_0:
0x0: {  	s2 =	sld [smem:$0x3FD9]  }
0x1: {  	s3 =	sld [smem:$0x3FFE];
	_ =	sdelay $0x1  }
0x2: {  	s1 =	srdreg.scid  }
0x3: {  	s0 =	sand.u32 $0x1, s1  }
0x4: {  	s15 =	sshll.u32 s0, $0xA;
	s2 =	sadd.s32 s3, s2  }
0x5: {  	s2 =	sadd.s32 s2, s15  }
0x6: {  	[smem:$0x3FC3] =	sst s2  }
0x7: {  	_ = 	snop  }
0x8: {  	s2 =	sld [smem:$0x3FD0];
	_ =	sdelay $0x2  }
0x9: {  	s16 =	simm.s32 $0xA;
	s4 =	simm.s32 $0x10  }
0xa: {  	[smem:s4], [sflag:s16] =	dma.local [hbm:s2], $0x1  }
0xb: {  	_ =	swait.eq [sflag:s16], $0x1  }
0xc: {  	[sflag:s16] =	ssyncset.done $0x0  }
0xd: {  	[sflag:s16] =	ssyncadd.s32 $0xFFFFFFFF  }
0xe: {  	s17 =	sld [smem:$0x10];
	(tm) =	ssettm $0x1  }
0xf: {  	s18 =	sld [smem:$0x3FFB];
	_ =	sdelay $0x3  }
0x10: {  	_ =	strace s18  }
0x11: {  	s3 =	sld [smem:$0x3FFC];
	_ =	sdelay $0x3  }
0x12: {  	_ =	strace s3  }
0x13: {  	s3 =	sld [smem:$0x3FFD];
	_ =	sdelay $0x3  }
0x14: {  	_ =	strace s3  }
0x15: {  	_ =	strace $0x8FFFFFFF  }
0x16: {  	s19 =	sld [smem:$0x3FDB];
	_ =	sdelay $0x1  }
0x17: {  	s20 =	simm.s32 $_scs_section_size  }
0x18: {  	s5 =	simm.s32 $_size__tile_overlayer_lowered;
	s6 =	simm.s32 $_tile_overlayer_lowered  }
0x19: {  	s23 =	simm.s32 $0x1BFF;
	s22 =	sshll.u32 s6, $0x1;
	s3 =	sadd.s32 s20, s19  }
0x1a: {  	s7 =	simm.s32 $0x0;
	s21 =	sshll.u32 s5, $0x1;
	s5 =	sadd.s32 s22, s3  }
0x1b: {  	[timem:s7], [sflag:s23] =	dma.local [hbm:s5], s21  }
0x1c: {  	_ =	swait.ge [sflag:s23], s21  }
0x1d: {  	s4 =	ssub.s32 $0x0, s21;
	[sflag:s23] =	ssyncset.done $0x0  }
0x1e: {  	[sflag:s23] =	ssyncadd.s32 s4;
	_ =	sdelay $0x1  }
0x1f: {  	s24 =	simm.s32 $0x1B8B  }
0x20: {  	_ =	swait.ge [sflag:s24], $0x1  }
0x21: {  	[sflag:s24] =	ssyncset.done $0x0  }
0x22: {  	s26 =	simm.s32 $0x1B8E;
	s25 =	sld [smem:$0x3FFE];
	[sflag:s24] =	ssyncadd.s32 $0xFFFFFFFF  }
0x23: {  	s27 =	simm.s32 $execute0_lowered;
	[smem:$0x3FD2] =	sst s26  }
0x24: {  	s5 =	sshll.u32 s27, $0x1;
	_ =	strace $0x80000049;
	[dreg:$0x1] =	wrdreg $0xFFFFFFFF  }
0x25: {  	s28 =	simm.s32 $_size_execute0_lowered;
	s3 =	sadd.s32 s3, s5;
	[dreg:$0x0] =	wrdreg $0x0  }
0x26: {  	s5 =	sshll.u32 s28, $0x1;
	[dreg:$0x2] =	wrdreg s3  }
0x27: {  	[dreg:$0x3] =	wrdreg s5  }
0x28: {  	[dreg:$0x4] =	wrdreg $0xC0  }
0x29: {  	_ =	task [dreg:s7], $0x5FFFF  }
0x2a: {  	[dreg:$0x1] =	wrdreg $0xFFFFFFFF  }
0x2b: {  	[dreg:$0x0] =	wrdreg $0x60  }
0x2c: {  	[dreg:$0x2] =	wrdreg s25  }
0x2d: {  	[dreg:$0x3] =	wrdreg s17  }
0x2e: {  	[dreg:$0x4] =	wrdreg $0x9  }
0x2f: {  	_ =	task.clear_ibuf [dreg:s7], $0x5FFFF;
	_ =	strace $0x90000049  }
0x30: {  	s29 =	simm.s32 $0x9;
	_ =	strace $0x8000004B  }
0x31: {  	_ =	swait.ge [sflag:s29], $0x1  }
0x32: {  	[sflag:s29] =	ssyncadd.s32 $0xFFFFFFFF  }
0x33: {  	_ =	strace $0x9000004B  }
0x34: {  	_ =	sfence  }
0x35: {  	s30 =	sld [smem:$0x0];
	_ =	sdelay $0x2  }
0x36: {  	s31 =	sshll.u32 s1, $0xD;
	s1 =	sshrl.u32 s1, $0x2  }
0x37: {  	s3 =	sand.u32 $0x4000, s31;
	s1 =	sadd.s32 s1, s30  }
0x38: {  	s0 =	sor.u32 s3, s0;
	s1 =	sshll.u32 s1, $0x11  }
0x39: {  	s0 =	sor.u32 s1, s0  }
0x3a: {  	s0 =	sadd.s32 $0x8F2B, s0  }
0x3b: {  	[sflag:s0] =	ssyncadd.remote.s32 $0x1  }
0x3c: {  	_ =	sfence.sel $0xFFFF  }
0x3d: {  	[dreg:$0x0] =	wrdreg $0xFFFFFFFF;
	(pc) =	sbr.abs _section_cstart, $3  }
0x3e: {  	[dreg:$0x1] =	wrdreg $0xFFFFFFFF  }
0x3f: {  	_ =	task.clear_ibuf [dreg:s7], $0x2FFFF;
	_ =	strace $0x9FFFFFFF  }
0x40: {  	(tm) =	ssettm $0x7FFFFFFF  }
0x41: {  	_ =	shalt  }
tec
execute0_lowered:
.L_overlay_start_1:
0x0: {  	(tag) =	ssettag $0x1  }
0x1: {  	s0 =	stileid.u32  }
0x2: {  	s3 =	srdreg.scid;
	s31 =	rddreg [dreg:$0x0];
	s9 =	simm.s32 $0x2  }
0x3: {  	s21 =	simm.s32 $0x0;
	s11 =	simm.s32 $0x400;
	s2 =	sshll.u32 s0, $0x6  }
0x4: {  	s12 =	simm.s32 $0x800;
	s1 =	sand.u32 $0x1, s0;
	s2 =	sand.u32 $0x380, s2  }
0x5: {  	s3 =	sshll.u32 s3, $0x7;
	s4 =	ssub.s32 $0x2, s1;
	s5 =	ssub.s32 $0x400, s2  }
0x6: {  	s3 =	sand.u32 $0x80, s3;
	s6 =	sshrl.u32 s4, $0x1;
	s7 =	sand.u32 $0x380, s5  }
0x7: {  	s4 =	sand.u32 $0x1, s4;
	p0 =	sne.s32 s7, $0x0;
	s7 =	simm.s32 $0x1  }
0x8: {  	s8 =	ssub.s32 $0x100, s3;
	s5 =	sshrl.u32 s5, $0xA;
	s7 =	simm.s32 @!p0 $0x0  }
0x9: {  	s4 =	sadd.s32 s4, s6;
	s29 =	sshrl.u32 s8, $0x7;
	s5 =	sadd.s32 s7, s5  }
0xa: {  	s30 =	sshrl.u32 s8, $0x8;
	s6 =	sand.u32 $0x1, s29;
	s4 =	smul.u32 s5, s4  }
0xb: {  	s13 =	simm.s32 $0x0;
	s18 =	simm.s32 $0x0;
	s6 =	sadd.s32 s30, s6  }
0xc: {  	s19 =	simm.s32 $0x0;
	s20 =	simm.s32 $0x0;
	s7 =	smul.u32 s6, s4  }
.Ltmp0:
0xd: {  	s14 =	simm.s32 $0x0;
	s5 =	rddreg [dreg:$0x1];
	(pc) =	sbr.rel .LBB1_1-.Ltmp0, $4  }
0xe: {  	s17 =	simm.s32 $0x0;
	s16 =	smov.u32 s1;
	s4 =	rddreg [dreg:$0x2]  }
0xf: {  	_ =	strace $0x8000004A;
	s6 =	simm.s32 $0x1;
	s7 =	smul.u32 $0x23, s7  }
0x10: {  	s15 =	smov.u32 s2;
	s8 =	sadd.s32 $0xA000, s31;
	[sflag:s6] =	ssyncpa.u1 $0x0  }
0x11: {  	[sflag:s9] =	ssyncpa.u1 $0x0;
	s9 =	sshll.u32 s3, $0x3;
	s10 =	sadd.s32 $0x1, s7  }
.LBB1_4:
0x12: {  	_ =	sdelay $0x3  }
0x13: {  	[tilespmem:v0+s24+$0xFFFFFFD0 ss:$0x1] =	vst.idx.msk $0xffff, v6  }
0x14: {  	v56 =	vld.idx.msk [tilespmem:v1+s23+$0x0 ss:$0x1], $0xffff;
	[tilespmem:v0+s24+$0xFFFFFFE0 ss:$0x1] =	vst.idx.msk $0xffff, v4  }
0x15: {  	v57 =	vld.idx.msk [tilespmem:v1+s23+$0xFFFFFF90 ss:$0x1], $0xffff;
	[tilespmem:v0+s24+$0xFFFFFFF0 ss:$0x1] =	vst.idx.msk $0xffff, v2  }
0x16: {  	v58 =	vld.idx.msk [tilespmem:v1+s23+$0xFFFFFFA0 ss:$0x1], $0xffff;
	[tilespmem:v0+s24+$0x0 ss:$0x1] =	vst.idx.msk $0xffff, v3  }
0x17: {  	v59 =	vld.idx.msk [tilespmem:v1+s23+$0xFFFFFFB0 ss:$0x1], $0xffff;
	[tilespmem:v0+s24+$0x10 ss:$0x1] =	vst.idx.msk $0xffff, v5  }
0x18: {  	v60 =	vld.idx.msk [tilespmem:v1+s23+$0xFFFFFFC0 ss:$0x1], $0xffff;
	[tilespmem:v0+s24+$0x20 ss:$0x1] =	vst.idx.msk $0xffff, v7  }
0x19: {  	v61 =	vld.idx.msk [tilespmem:v1+s23+$0xFFFFFFD0 ss:$0x1], $0xffff;
	[tilespmem:v0+s23+$0x30 ss:$0x1] =	vst.idx.msk $0xffff, v56  }
0x1a: {  	s28 =	sshll.u32 s19, $0x8;
	v62 =	vld.idx.msk [tilespmem:v1+s23+$0xFFFFFFE0 ss:$0x1], $0xffff;
	s21 =	sshll.u32 s21, $0x3;
	[tilespmem:v0+s23+$0xFFFFFFC0 ss:$0x1] =	vst.idx.msk $0xffff, v57  }
0x1b: {  	s25 =	sshll.u32 s19, $0x7;
	v63 =	vld.idx.msk [tilespmem:v1+s23+$0xFFFFFFF0 ss:$0x1], $0xffff;
	s20 =	smul.u32 $0x118000, s20;
	s24 =	sand.u32 $0x3F800, s28;
	[tilespmem:v0+s23+$0xFFFFFFD0 ss:$0x1] =	vst.idx.msk $0xffff, v58  }
0x1c: {  	s18 =	sshll.u32 s18, $0xF;
	s29 =	sand.u32 $0x300, s25;
	s21 =	sor.u32 s24, s21;
	[tilespmem:v0+s23+$0xFFFFFFE0 ss:$0x1] =	vst.idx.msk $0xffff, v59  }
0x1d: {  	s30 =	sshll.u32 s19, $0x4;
	s20 =	sadd.s32 s5, s20;
	s21 =	sor.u32 s29, s21;
	[tilespmem:v0+s23+$0xFFFFFFF0 ss:$0x1] =	vst.idx.msk $0xffff, v60  }
0x1e: {  	s19 =	sand.u32 $0x10, s30;
	s18 =	sadd.s32 s18, s20;
	s21 =	sshrl.u32 s21, $0x3;
	[tilespmem:v0+s23+$0x0 ss:$0x1] =	vst.idx.msk $0xffff, v61  }
0x1f: {  	s18 =	sadd.s32 s19, s18;
	[tilespmem:v0+s23+$0x10 ss:$0x1] =	vst.idx.msk $0xffff, v62;
	s31 =	sand.u32 $0x7FE0, s21  }
0x20: {  	[tilespmem:v0+s23+$0x20 ss:$0x1] =	vst.idx.msk $0xffff, v63;
	s18 =	sadd.s32 s31, s18  }
0x21: {  	[hbm4b:s18+s11] =	stream.strided.scatter [tilespmem:s22], [sflag:$0x2], $0x4000, s12, s11, $0x38;
	[tilespmem:$0x10000] =	vst v63  }
.LBB1_5:
0x22: {  	s22 =	sadd.s32 $0x1, s14  }
0x23: {  	s18 =	sadd.s32 $0x400, s15;
	s23 =	smov.u32 s15;
	p1 =	sgt.s32 s22, $0x22  }
0x24: {  	s23 =	smov.u32 @p1 s18  }
0x25: {  	s24 =	smov.u32 s16;
	s18 =	sadd.s32 $0x2, s16;
	p2 =	sgt.s32 s23, $0x3FF  }
0x26: {  	s24 =	smov.u32 @p2 s18  }
0x27: {  	s22 =	simm.s32 @p1 $0x0;
	p1 =	sgt.s32 s24, $0x1  }
0x28: {  	p0 =	slt.u32 s17, $0x2;
	s24 =	smov.u32 @p1 s1;
	p1 =	sne.s32 s17, s10  }
.Ltmp1:
0x29: {  	s19 =	smov.u32 s15;
	s21 =	simm.s32 @!p0 $0x2;
	(pc) =	sbr.rel @!p1 .LBB1_6-.Ltmp1, $4  }
0x2a: {  	s20 =	smov.u32 s16;
	s13 =	sadd.s32 $0x4000, s13;
	_ =	swait.ge @!p0 [sflag:s21], $0x4000  }
0x2b: {  	[sflag:s21] =	ssyncset.done @!p0 $0x0;
	s23 =	smov.u32 @p2 s2;
	s18 =	smov.u32 s14  }
0x2c: {  	[sflag:s21] =	ssyncadd.s32 @!p0 $0xFFFFC000;
	s21 =	smov.u32 s3;
	s14 =	smov.u32 s22  }
0x2d: {  	s15 =	smov.u32 s23;
	s17 =	sadd.s32 $0x1, s17;
	s16 =	smov.u32 s24  }
.LBB1_1:
0x2e: {  	p0 =	sge.u32 s17, s7  }
0x2f: {  	s22 =	sshll.u32 @!p0 s14, $0x8  }
0x30: {  	s23 =	sshll.u32 @!p0 s14, $0x7;
	s22 =	sand.u32 @!p0 $0xFFFFF800, s22  }
0x31: {  	s23 =	sand.u32 @!p0 $0x300, s23;
	s22 =	sor.u32 @!p0 s9, s22  }
0x32: {  	s22 =	sor.u32 @!p0 s23, s22  }
0x33: {  	s22 =	sshrl.u32 @!p0 s22, $0x8  }
0x34: {  	s23 =	smulhi.u32 @!p0 $0x6666667, s22  }
0x35: {  	s24 =	smul.u32 @!p0 $0x140000, s16  }
0x36: {  	s23 =	smul.u32 @!p0 $0x28, s23  }
0x37: {  	s31 =	sadd.s32 $0xFFFFFFFF, s17;
	s25 =	sxor.u32 @!p0 $0xFFFFFFFF, s17;
	s26 =	smul.u32 @!p0 $0x500, s15  }
0x38: {  	s24 =	sadd.s32 @!p0 s8, s24;
	s22 =	ssub.s32 @!p0 s22, s23;
	s23 =	sshll.u32 @!p0 s14, $0x4  }
0x39: {  	s25 =	sshll.u32 @!p0 s25, $0xE;
	s24 =	sadd.s32 @!p0 s26, s24;
	s23 =	sand.u32 @!p0 $0x10, s23  }
0x3a: {  	s25 =	sand.u32 @!p0 $0x4000, s25;
	s22 =	sshll.u32 @!p0 s22, $0x5;
	s23 =	sadd.s32 @!p0 s23, s24  }
0x3b: {  	s24 =	simm.s32 @!p0 $0x2800;
	s22 =	sadd.s32 @!p0 s22, s23;
	s23 =	simm.s32 @!p0 $0x80  }
0x3c: {  	[tilespmem:s25], [sflag:$0x1] =	stream.strided.gather @!p0 [hbm4b:s22+s23], $0x4000, s24, s23, $0x38;
	[tilespmem:$0x10000] =	vst v63  }
0x3d: {  	p0 =	sge.u32 s31, s7  }
.Ltmp2:
0x3e: {  	_ = 	snop;
	(pc) =	sbr.rel @p0 .LBB1_5-.Ltmp2, $1  }
0x3f: {  	_ =	sdelay $0x3  }
0x40: {  	s22 =	sand.u32 $0x4000, s13  }
0x41: {  	s23 =	sor.u32 $0x70, s22  }
0x42: {  	v1 =	vmov s23;
	_ =	sdelay $0x1  }
0x43: {  	_ =	swait.ge [sflag:s6], $0x4000  }
0x44: {  	[sflag:s6] =	ssyncset.done $0x0  }
0x45: {  	s24 =	simm.s32 $0x0;
	[sflag:s6] =	ssyncadd.s32 $0xFFFFC000  }
0x46: {  	s22 =	sor.u32 $0x8040, s22;
	v7 =	vld.idx.msk [tilespmem:v1+s24+$0x0 ss:$0x1], $0xffff  }
0x47: {  	v0 =	vmov s22;
	v8 =	vld.idx.msk [tilespmem:v1+s24+$0xFFFFFF90 ss:$0x1], $0xffff  }
0x48: {  	v6 =	vld.idx.msk [tilespmem:v1+s24+$0xFFFFFFA0 ss:$0x1], $0xffff  }
0x49: {  	v4 =	vld.idx.msk [tilespmem:v1+s24+$0xFFFFFFB0 ss:$0x1], $0xffff  }
0x4a: {  	v2 =	vld.idx.msk [tilespmem:v1+s24+$0xFFFFFFC0 ss:$0x1], $0xffff  }
0x4b: {  	s31 =	sshll.u32 s17, $0xE;
	v3 =	vld.idx.msk [tilespmem:v1+s24+$0xFFFFFFD0 ss:$0x1], $0xffff  }
0x4c: {  	s22 =	sand.u32 $0x4000, s31;
	v5 =	vld.idx.msk [tilespmem:v1+s24+$0xFFFFFFE0 ss:$0x1], $0xffff;
	[tilespmem:v0+s24+$0x30 ss:$0x1] =	vst.idx.msk $0xffff, v7  }
0x4d: {  	s25 =	simm.s32 $0x400;
	s23 =	simm.s32 $0x80;
	s22 =	sor.u32 $0x8000, s22;
	[tilespmem:v0+s24+$0xFFFFFFC0 ss:$0x1] =	vst.idx.msk $0xffff, v8;
	v7 =	vld.idx.msk [tilespmem:v1+s24+$0xFFFFFFF0 ss:$0x1], $0xffff  }
.LBB1_3:
0x4e: {  	p0 =	sne.s32 s25, $0xFE00;
	v8 =	vld.idx.msk [tilespmem:v1+s23+$0x0 ss:$0x1], $0xffff;
	[tilespmem:v0+s24+$0xFFFFFFD0 ss:$0x1] =	vst.idx.msk $0xffff, v6  }
0x4f: {  	v9 =	vld.idx.msk [tilespmem:v1+s23+$0xFFFFFF90 ss:$0x1], $0xffff;
	[tilespmem:v0+s24+$0xFFFFFFE0 ss:$0x1] =	vst.idx.msk $0xffff, v4  }
0x50: {  	v6 =	vld.idx.msk [tilespmem:v1+s23+$0xFFFFFFA0 ss:$0x1], $0xffff;
	[tilespmem:v0+s24+$0xFFFFFFF0 ss:$0x1] =	vst.idx.msk $0xffff, v2  }
.Ltmp3:
0x51: {  	v4 =	vld.idx.msk [tilespmem:v1+s23+$0xFFFFFFB0 ss:$0x1], $0xffff;
	[tilespmem:v0+s24+$0x0 ss:$0x1] =	vst.idx.msk $0xffff, v3;
	(pc) =	sbr.rel @p0 .LBB1_3-.Ltmp3, $4  }
0x52: {  	v2 =	vld.idx.msk [tilespmem:v1+s23+$0xFFFFFFC0 ss:$0x1], $0xffff;
	[tilespmem:v0+s24+$0x10 ss:$0x1] =	vst.idx.msk $0xffff, v5  }
0x53: {  	v3 =	vld.idx.msk [tilespmem:v1+s23+$0xFFFFFFD0 ss:$0x1], $0xffff;
	[tilespmem:v0+s24+$0x20 ss:$0x1] =	vst.idx.msk $0xffff, v7;
	s24 =	smov.u32 s23  }
0x54: {  	v5 =	vld.idx.msk [tilespmem:v1+s24+$0xFFFFFFE0 ss:$0x1], $0xffff;
	[tilespmem:v0+s24+$0x30 ss:$0x1] =	vst.idx.msk $0xffff, v8  }
0x55: {  	s23 =	sshra.s32 s25, $0x2;
	s25 =	sadd.s32 $0x200, s25;
	[tilespmem:v0+s24+$0xFFFFFFC0 ss:$0x1] =	vst.idx.msk $0xffff, v9;
	v7 =	vld.idx.msk [tilespmem:v1+s24+$0xFFFFFFF0 ss:$0x1], $0xffff  }
.Ltmp4:
0x56: {  	_ = 	snop;
	(pc) =	sbr.rel .LBB1_4-.Ltmp4, $1  }
0x57: {  	_ =	sdelay $0x3  }
.LBB1_6:
0x58: {  	_ =	sfence.sel $0x180000  }
0x59: {  	s1 =	simm.s32 $0x1;
	[bflag:$0x0] =	sbarrier.arrive $0xFFFF  }
0x5a: {  	s31 =	simm.s32 $0x2;
	[sflag:s1] =	ssyncpa.u1 $0x1  }
0x5b: {  	[sflag:s31] =	ssyncpa.u1 $0x1  }
0x5c: {  	p0 =	sne.s32 s0, $0x0;
	_ =	strace $0x9000004A  }
0x5d: {  	s0 =	sadd.s32 @!p0 $0x100000, s4;
	[bflag:$0x2] =	sbarrier.arrive $0xFFFF  }
0x5e: {  	[sflag:s0] =	ssyncadd.tile.s32 @!p0 $0x1;
	_ =	shalt  }
.Lfunc_end1:
_tile_overlayer_lowered:
.L_overlay_start_2:
0x5f: {  	(tag) =	ssettag $0x2  }
0x60: {  	s0 =	rddreg [dreg:$0x0];
	s2 =	stileid.u32  }
0x61: {  	s1 =	rddreg [dreg:$0x1];
	p0 =	sne.s32 s2, $0x0  }
0x62: {  	s3 =	rddreg [dreg:$0x2];
	[bflag:$0x3] =	sbarrier.arrive $0xFFFF;
	s2 =	simm.s32 @!p0 $0x1C01  }
0x63: {  	[timem:s3], [sflag:s2] =	dma.local @!p0 [hbm:s0], s1  }
0x64: {  	s0 =	simm.s32 @!p0 $0x1  }
0x65: {  	_ =	swait.ge @!p0 [sflag:s0], s1  }
0x66: {  	s1 =	ssub.s32 @!p0 $0x0, s1;
	[sflag:s0] =	ssyncset.done @!p0 $0x0  }
0x67: {  	[sflag:s0] =	ssyncadd.s32 @!p0 s1  }
0x68: {  	[bflag:$0x3] =	sbarrier.arrive $0xFFFF  }
0x69: {  	_ =	shalt  }

</sc_bundles>
